<compile_context>
chip_gen: v7x
topology: tpu7x:2x2x1
jax: 0.10.2.dev20260603
libtpu: 0.0.44.dev20260713+nightly
codegen_flags: <defaults>
</compile_context>

<pallas_src>
import functools

import jax
import jax.numpy as jnp
from jax import lax
from jax.experimental import pallas as pl
from jax.experimental.pallas import tpu as pltpu
from jax.experimental.pallas import tpu_sc as plsc

B = 16384
EMB = 96
NS = 8
DIM = 32
FUSED = NS * NS * NS

NW = 32
BPW = B // NW
CHUNK = 128
NCH = BPW // CHUNK
L = 16


def _fuse_tables_body(tw_ref, vw_ref, lw_ref, out_ref):
    r = lax.broadcasted_iota(jnp.int32, (FUSED, DIM), 0)
    rt = r // 64
    rv = (r // 8) % NS
    rl = r % NS
    t_big = jnp.zeros((FUSED, DIM), jnp.float32)
    v_big = jnp.zeros((FUSED, DIM), jnp.float32)
    l_big = jnp.zeros((FUSED, DIM), jnp.float32)
    for s in range(NS):
        t_big = jnp.where(rt == s, tw_ref[s, :][None, :], t_big)
        v_big = jnp.where(rv == s, vw_ref[s, :][None, :], v_big)
        l_big = jnp.where(rl == s, lw_ref[s, :][None, :], l_big)
    pad = jnp.zeros((FUSED, 128 - EMB), jnp.float32)
    out_ref[...] = jnp.concatenate([t_big, v_big, l_big, pad], axis=1)


_fuse_tables = pl.pallas_call(
    _fuse_tables_body,
    out_shape=jax.ShapeDtypeStruct((FUSED, 128), jnp.float32),
)


@functools.lru_cache(maxsize=1)
def _make_sc_embed():
    mesh = plsc.VectorSubcoreMesh(core_axis_name="c", subcore_axis_name="s")

    @functools.partial(
        pl.kernel,
        out_type=jax.ShapeDtypeStruct((B, 128), jnp.float32),
        mesh=mesh,
        scratch_types=[
            pltpu.VMEM((BPW,), jnp.int32),
            pltpu.VMEM((BPW,), jnp.int32),
            pltpu.VMEM((BPW,), jnp.int32),
            pltpu.VMEM((NCH, CHUNK), jnp.int32),
            pltpu.VMEM((BPW, 128), jnp.float32),
            pltpu.SemaphoreType.DMA,
            pltpu.SemaphoreType.DMA,
            pltpu.SemaphoreType.DMA,
        ],
        compiler_params=pltpu.CompilerParams(use_tc_tiling_on_sc=True),
    )
    def _sc_embed(fused_hbm, t_hbm, v_hbm, l_hbm, out_hbm,
                  t_v, v_v, l_v, idx_v, rows_v, sem_in, sem_g, sem_w):
        wid = lax.axis_index("s") * 2 + lax.axis_index("c")
        base = wid * BPW

        hin = [
            pltpu.async_copy(t_hbm.at[pl.ds(base, BPW)], t_v, sem_in),
            pltpu.async_copy(v_hbm.at[pl.ds(base, BPW)], v_v, sem_in),
            pltpu.async_copy(l_hbm.at[pl.ds(base, BPW)], l_v, sem_in),
        ]
        for h in hin:
            h.wait()

        gh = []
        for j in range(NCH):
            for i in range(CHUNK // L):
                off = j * CHUNK + i * L
                t = jnp.clip(t_v[pl.ds(off, L)], 0, NS - 1)
                v = jnp.clip(v_v[pl.ds(off, L)], 0, NS - 1)
                l = jnp.clip(l_v[pl.ds(off, L)], 0, NS - 1)
                idx_v[j, pl.ds(i * L, L)] = t * 64 + v * 8 + l
            gh.append(
                pltpu.async_copy(
                    fused_hbm.at[idx_v.at[j]],
                    rows_v.at[pl.ds(j * CHUNK, CHUNK)],
                    sem_g,
                )
            )

        wh = []
        for j in range(NCH):
            gh[j].wait()
            wh.append(
                pltpu.async_copy(
                    rows_v.at[pl.ds(j * CHUNK, CHUNK)],
                    out_hbm.at[pl.ds(base + j * CHUNK, CHUNK)],
                    sem_w,
                )
            )
        for h in wh:
            h.wait()

    return _sc_embed


@jax.jit
def kernel(trend_state, vol_state, liq_state, trend_w, vol_w, liq_w):
    fused = _fuse_tables(trend_w, vol_w, liq_w)
    padded = _make_sc_embed()(fused, trend_state, vol_state, liq_state)
    return padded[:, :EMB]

# --- scband reference (transcript-rebuilt; emitter-appended) ---
"""Pipeline reference for scband-regime-embedding-73821897883756 (READ-ONLY COPY).

The authoritative reference and input builder live on the scoring server;
editing this copy changes nothing except your own understanding.
"""

import jax, jax.numpy as jnp
import numpy as np

B = 16384
EMB = 96
N_TREND = 8
N_VOL = 8
N_LIQ = 8
DIM_EACH = EMB // 3  # 32
DIM_LIQ = EMB - 2 * DIM_EACH  # 32


def _structured_table(n_states, dim):
    rows = []
    for i in range(n_states):
        val = (i - (n_states - 1) / 2) / max(1, (n_states - 1) / 2)
        rows.append(jnp.full((dim,), val * 0.5, dtype=jnp.float32))
    return jnp.stack(rows, axis=0)


def setup_inputs(seed: int = 0) -> dict:
    key = jax.random.key(seed)
    k1, k2, k3 = jax.random.split(key, 3)
    trend_state = jax.random.randint(k1, (B,), 0, N_TREND, dtype=jnp.int32)
    vol_state = jax.random.randint(k2, (B,), 0, N_VOL, dtype=jnp.int32)
    liq_state = jax.random.randint(k3, (B,), 0, N_LIQ, dtype=jnp.int32)
    trend_w = _structured_table(N_TREND, DIM_EACH)
    vol_w = _structured_table(N_VOL, DIM_EACH)
    liq_w = _structured_table(N_LIQ, DIM_LIQ)
    return {
        "trend_state": trend_state,
        "vol_state": vol_state,
        "liq_state": liq_state,
        "trend_w": trend_w,
        "vol_w": vol_w,
        "liq_w": liq_w,
    }


def reference(trend_state, vol_state, liq_state, trend_w, vol_w, liq_w):
    # clamp indices into valid range (matches torch.clamp in forward)
    t = jnp.clip(trend_state, 0, N_TREND - 1)
    v = jnp.clip(vol_state, 0, N_VOL - 1)
    l = jnp.clip(liq_state, 0, N_LIQ - 1)
    # factorized learnable path: three embedding gathers + concat
    trend_vec = jnp.take(trend_w, t, axis=0)
    vol_vec = jnp.take(vol_w, v, axis=0)
    liq_vec = jnp.take(liq_w, l, axis=0)
    return jnp.concatenate([trend_vec, vol_vec, liq_vec], axis=-1)

if __name__ == "__main__":
    import jax
    _d = setup_inputs()
    print(jax.jit(kernel)(*tuple(_d.values())))

</pallas_src>

<mosaic_0001>
#map = affine_map<(d0, d1) -> (0, 0)>
#map1 = affine_map<(d0, d1) -> (0)>
module attributes {stable_mosaic.version = 14 : i64} {
  func.func @_sc_embed(%arg0: i32, %arg1: i32, %arg2: memref<512x128xf32, #tpu.memory_space<hbm>>, %arg3: memref<16384xi32, #tpu.memory_space<hbm>>, %arg4: memref<16384xi32, #tpu.memory_space<hbm>>, %arg5: memref<16384xi32, #tpu.memory_space<hbm>>, %arg6: memref<16384x128xf32, #tpu.memory_space<hbm>>, %arg7: memref<512xi32, #tpu.memory_space<vmem>>, %arg8: memref<512xi32, #tpu.memory_space<vmem>>, %arg9: memref<512xi32, #tpu.memory_space<vmem>>, %arg10: memref<4x128xi32, #tpu.memory_space<vmem>>, %arg11: memref<512x128xf32, #tpu.memory_space<vmem>>, %arg12: memref<!tpu.dma_semaphore, #tpu.memory_space<semaphore_mem>>, %arg13: memref<!tpu.dma_semaphore, #tpu.memory_space<semaphore_mem>>, %arg14: memref<!tpu.dma_semaphore, #tpu.memory_space<semaphore_mem>>) attributes {dimension_semantics = [#tpu.dimension_semantics<core_parallel>, #tpu.dimension_semantics<subcore_parallel>], iteration_bounds = array<i64: 2, 16>, scalar_prefetch = 0 : i64, scratch_operands = 8 : i64, tpu.core_type = #tpu.core_type<sc_vector_subcore>, window_params = [{transform_indices = #map}, {transform_indices = #map1}, {transform_indices = #map1}, {transform_indices = #map1}, {transform_indices = #map}]} {
    %mul3A = arith.constant 2 : i32
    %mul3A_0 = arith.muli %arg1, %mul3A : i32
    %add3A = arith.addi %mul3A_0, %arg0 : i32
    %mul3A_1 = arith.constant 512 : i32
    %mul3A_2 = arith.muli %add3A, %mul3A_1 : i32
    %dma_start3A = tpu.memref_slice %arg3[%mul3A_2] : memref<16384xi32, #tpu.memory_space<hbm>> -> memref<512xi32, #tpu.memory_space<hbm>>
    %dma_start3A_3 = tpu.memref_slice %arg3[%mul3A_2] : memref<16384xi32, #tpu.memory_space<hbm>> -> memref<512xi32, #tpu.memory_space<hbm>>
    tpu.enqueue_dma source(%dma_start3A_3 : memref<512xi32, #tpu.memory_space<hbm>>) target(%arg7 : memref<512xi32, #tpu.memory_space<vmem>>) target_semaphore(%arg12 : memref<!tpu.dma_semaphore, #tpu.memory_space<semaphore_mem>>)
    %dma_start3A_4 = tpu.memref_slice %arg4[%mul3A_2] : memref<16384xi32, #tpu.memory_space<hbm>> -> memref<512xi32, #tpu.memory_space<hbm>>
    %dma_start3A_5 = tpu.memref_slice %arg4[%mul3A_2] : memref<16384xi32, #tpu.memory_space<hbm>> -> memref<512xi32, #tpu.memory_space<hbm>>
    tpu.enqueue_dma source(%dma_start3A_5 : memref<512xi32, #tpu.memory_space<hbm>>) target(%arg8 : memref<512xi32, #tpu.memory_space<vmem>>) target_semaphore(%arg12 : memref<!tpu.dma_semaphore, #tpu.memory_space<semaphore_mem>>)
    %dma_start3A_6 = tpu.memref_slice %arg5[%mul3A_2] : memref<16384xi32, #tpu.memory_space<hbm>> -> memref<512xi32, #tpu.memory_space<hbm>>
    %dma_start3A_7 = tpu.memref_slice %arg5[%mul3A_2] : memref<16384xi32, #tpu.memory_space<hbm>> -> memref<512xi32, #tpu.memory_space<hbm>>
    tpu.enqueue_dma source(%dma_start3A_7 : memref<512xi32, #tpu.memory_space<hbm>>) target(%arg9 : memref<512xi32, #tpu.memory_space<vmem>>) target_semaphore(%arg12 : memref<!tpu.dma_semaphore, #tpu.memory_space<semaphore_mem>>)
    %dma_wait3A = tpu.memref_slice %arg3[%mul3A_2] : memref<16384xi32, #tpu.memory_space<hbm>> -> memref<512xi32, #tpu.memory_space<hbm>>
    %dma_wait3A_8 = tpu.memref_slice %arg3[%mul3A_2] : memref<16384xi32, #tpu.memory_space<hbm>> -> memref<512xi32, #tpu.memory_space<hbm>>
    tpu.wait_dma2 semaphore(%arg12 : memref<!tpu.dma_semaphore, #tpu.memory_space<semaphore_mem>>) src(%dma_wait3A_8 : memref<512xi32, #tpu.memory_space<hbm>>) dst(%arg7 : memref<512xi32, #tpu.memory_space<vmem>>)
    %dma_wait3A_9 = tpu.memref_slice %arg4[%mul3A_2] : memref<16384xi32, #tpu.memory_space<hbm>> -> memref<512xi32, #tpu.memory_space<hbm>>
    %dma_wait3A_10 = tpu.memref_slice %arg4[%mul3A_2] : memref<16384xi32, #tpu.memory_space<hbm>> -> memref<512xi32, #tpu.memory_space<hbm>>
    tpu.wait_dma2 semaphore(%arg12 : memref<!tpu.dma_semaphore, #tpu.memory_space<semaphore_mem>>) src(%dma_wait3A_10 : memref<512xi32, #tpu.memory_space<hbm>>) dst(%arg8 : memref<512xi32, #tpu.memory_space<vmem>>)
    %dma_wait3A_11 = tpu.memref_slice %arg5[%mul3A_2] : memref<16384xi32, #tpu.memory_space<hbm>> -> memref<512xi32, #tpu.memory_space<hbm>>
    %dma_wait3A_12 = tpu.memref_slice %arg5[%mul3A_2] : memref<16384xi32, #tpu.memory_space<hbm>> -> memref<512xi32, #tpu.memory_space<hbm>>
    tpu.wait_dma2 semaphore(%arg12 : memref<!tpu.dma_semaphore, #tpu.memory_space<semaphore_mem>>) src(%dma_wait3A_12 : memref<512xi32, #tpu.memory_space<hbm>>) dst(%arg9 : memref<512xi32, #tpu.memory_space<vmem>>)
    %get3A = arith.constant 0 : index
    %get3A_13 = tpu.vector_load %arg7[%get3A] {strides = array<i32>} : memref<512xi32, #tpu.memory_space<vmem>>, vector<16xi32>,
    %get3A_14 = vector.shape_cast %get3A_13 : vector<16xi32> to vector<16xi32>
    %jit3A = arith.constant 0 : i32
    %jit3A_15 = arith.constant 7 : i32
    %max3A = vector.broadcast %jit3A : i32 to vector<16xi32>
    %max3A_16 = arith.maxsi %max3A, %get3A_14 : vector<16xi32>
    %min3A = vector.broadcast %jit3A_15 : i32 to vector<16xi32>
    %min3A_17 = arith.minsi %min3A, %max3A_16 : vector<16xi32>
    %get3A_18 = arith.constant 0 : index
    %get3A_19 = tpu.vector_load %arg8[%get3A_18] {strides = array<i32>} : memref<512xi32, #tpu.memory_space<vmem>>, vector<16xi32>,
    %get3A_20 = vector.shape_cast %get3A_19 : vector<16xi32> to vector<16xi32>
    %jit3A_21 = arith.constant 0 : i32
    %jit3A_22 = arith.constant 7 : i32
    %max3A_23 = vector.broadcast %jit3A_21 : i32 to vector<16xi32>
    %max3A_24 = arith.maxsi %max3A_23, %get3A_20 : vector<16xi32>
    %min3A_25 = vector.broadcast %jit3A_22 : i32 to vector<16xi32>
    %min3A_26 = arith.minsi %min3A_25, %max3A_24 : vector<16xi32>
    %get3A_27 = arith.constant 0 : index
    %get3A_28 = tpu.vector_load %arg9[%get3A_27] {strides = array<i32>} : memref<512xi32, #tpu.memory_space<vmem>>, vector<16xi32>,
    %get3A_29 = vector.shape_cast %get3A_28 : vector<16xi32> to vector<16xi32>
    %jit3A_30 = arith.constant 0 : i32
    %jit3A_31 = arith.constant 7 : i32
    %max3A_32 = vector.broadcast %jit3A_30 : i32 to vector<16xi32>
    %max3A_33 = arith.maxsi %max3A_32, %get3A_29 : vector<16xi32>
    %min3A_34 = vector.broadcast %jit3A_31 : i32 to vector<16xi32>
    %min3A_35 = arith.minsi %min3A_34, %max3A_33 : vector<16xi32>
    %mul3A_36 = arith.constant 64 : i32
    %mul3A_37 = vector.broadcast %mul3A_36 : i32 to vector<16xi32>
    %mul3A_38 = arith.muli %min3A_17, %mul3A_37 : vector<16xi32>
    %mul3A_39 = arith.constant 8 : i32
    %mul3A_40 = vector.broadcast %mul3A_39 : i32 to vector<16xi32>
    %mul3A_41 = arith.muli %min3A_26, %mul3A_40 : vector<16xi32>
    %add3A_42 = arith.addi %mul3A_38, %mul3A_41 : vector<16xi32>
    %add3A_43 = arith.addi %add3A_42, %min3A_35 : vector<16xi32>
    %swap3A = arith.constant 0 : i32
    %swap3A_44 = arith.index_cast %swap3A : i32 to index
    %swap3A_45 = arith.constant 0 : index
    %swap3A_46 = tpu.vector_load %arg10[%swap3A_44, %swap3A_45] {strides = array<i32>} : memref<4x128xi32, #tpu.memory_space<vmem>>, vector<1x16xi32>,
    %swap3A_47 = vector.shape_cast %swap3A_46 : vector<1x16xi32> to vector<16xi32>
    %swap3A_48 = vector.shape_cast %add3A_43 : vector<16xi32> to vector<1x16xi32>
    tpu.vector_store %arg10[%swap3A_44, %swap3A_45], %swap3A_48 {strides = array<i32>} : memref<4x128xi32, #tpu.memory_space<vmem>>, vector<1x16xi32>,
    %get3A_49 = arith.constant 16 : index
    %get3A_50 = tpu.vector_load %arg7[%get3A_49] {strides = array<i32>} : memref<512xi32, #tpu.memory_space<vmem>>, vector<16xi32>,
    %get3A_51 = vector.shape_cast %get3A_50 : vector<16xi32> to vector<16xi32>
    %jit3A_52 = arith.constant 0 : i32
    %jit3A_53 = arith.constant 7 : i32
    %max3A_54 = vector.broadcast %jit3A_52 : i32 to vector<16xi32>
    %max3A_55 = arith.maxsi %max3A_54, %get3A_51 : vector<16xi32>
    %min3A_56 = vector.broadcast %jit3A_53 : i32 to vector<16xi32>
    %min3A_57 = arith.minsi %min3A_56, %max3A_55 : vector<16xi32>
    %get3A_58 = arith.constant 16 : index
    %get3A_59 = tpu.vector_load %arg8[%get3A_58] {strides = array<i32>} : memref<512xi32, #tpu.memory_space<vmem>>, vector<16xi32>,
    %get3A_60 = vector.shape_cast %get3A_59 : vector<16xi32> to vector<16xi32>
    %jit3A_61 = arith.constant 0 : i32
    %jit3A_62 = arith.constant 7 : i32
    %max3A_63 = vector.broadcast %jit3A_61 : i32 to vector<16xi32>
    %max3A_64 = arith.maxsi %max3A_63, %get3A_60 : vector<16xi32>
    %min3A_65 = vector.broadcast %jit3A_62 : i32 to vector<16xi32>
    %min3A_66 = arith.minsi %min3A_65, %max3A_64 : vector<16xi32>
    %get3A_67 = arith.constant 16 : index
    %get3A_68 = tpu.vector_load %arg9[%get3A_67] {strides = array<i32>} : memref<512xi32, #tpu.memory_space<vmem>>, vector<16xi32>,
    %get3A_69 = vector.shape_cast %get3A_68 : vector<16xi32> to vector<16xi32>
    %jit3A_70 = arith.constant 0 : i32
    %jit3A_71 = arith.constant 7 : i32
    %max3A_72 = vector.broadcast %jit3A_70 : i32 to vector<16xi32>
    %max3A_73 = arith.maxsi %max3A_72, %get3A_69 : vector<16xi32>
    %min3A_74 = vector.broadcast %jit3A_71 : i32 to vector<16xi32>
    %min3A_75 = arith.minsi %min3A_74, %max3A_73 : vector<16xi32>
    %mul3A_76 = arith.constant 64 : i32
    %mul3A_77 = vector.broadcast %mul3A_76 : i32 to vector<16xi32>
    %mul3A_78 = arith.muli %min3A_57, %mul3A_77 : vector<16xi32>
    %mul3A_79 = arith.constant 8 : i32
    %mul3A_80 = vector.broadcast %mul3A_79 : i32 to vector<16xi32>
    %mul3A_81 = arith.muli %min3A_66, %mul3A_80 : vector<16xi32>
    %add3A_82 = arith.addi %mul3A_78, %mul3A_81 : vector<16xi32>
    %add3A_83 = arith.addi %add3A_82, %min3A_75 : vector<16xi32>
    %swap3A_84 = arith.constant 0 : i32
    %swap3A_85 = arith.index_cast %swap3A_84 : i32 to index
    %swap3A_86 = arith.constant 16 : index
    %swap3A_87 = tpu.vector_load %arg10[%swap3A_85, %swap3A_86] {strides = array<i32>} : memref<4x128xi32, #tpu.memory_space<vmem>>, vector<1x16xi32>,
    %swap3A_88 = vector.shape_cast %swap3A_87 : vector<1x16xi32> to vector<16xi32>
    %swap3A_89 = vector.shape_cast %add3A_83 : vector<16xi32> to vector<1x16xi32>
    tpu.vector_store %arg10[%swap3A_85, %swap3A_86], %swap3A_89 {strides = array<i32>} : memref<4x128xi32, #tpu.memory_space<vmem>>, vector<1x16xi32>,
    %get3A_90 = arith.constant 32 : index
    %get3A_91 = tpu.vector_load %arg7[%get3A_90] {strides = array<i32>} : memref<512xi32, #tpu.memory_space<vmem>>, vector<16xi32>,
    %get3A_92 = vector.shape_cast %get3A_91 : vector<16xi32> to vector<16xi32>
    %jit3A_93 = arith.constant 0 : i32
    %jit3A_94 = arith.constant 7 : i32
    %max3A_95 = vector.broadcast %jit3A_93 : i32 to vector<16xi32>
    %max3A_96 = arith.maxsi %max3A_95, %get3A_92 : vector<16xi32>
    %min3A_97 = vector.broadcast %jit3A_94 : i32 to vector<16xi32>
    %min3A_98 = arith.minsi %min3A_97, %max3A_96 : vector<16xi32>
    %get3A_99 = arith.constant 32 : index
    %get3A_100 = tpu.vector_load %arg8[%get3A_99] {strides = array<i32>} : memref<512xi32, #tpu.memory_space<vmem>>, vector<16xi32>,
    %get3A_101 = vector.shape_cast %get3A_100 : vector<16xi32> to vector<16xi32>
    %jit3A_102 = arith.constant 0 : i32
    %jit3A_103 = arith.constant 7 : i32
    %max3A_104 = vector.broadcast %jit3A_102 : i32 to vector<16xi32>
    %max3A_105 = arith.maxsi %max3A_104, %get3A_101 : vector<16xi32>
    %min3A_106 = vector.broadcast %jit3A_103 : i32 to vector<16xi32>
    %min3A_107 = arith.minsi %min3A_106, %max3A_105 : vector<16xi32>
    %get3A_108 = arith.constant 32 : index
    %get3A_109 = tpu.vector_load %arg9[%get3A_108] {strides = array<i32>} : memref<512xi32, #tpu.memory_space<vmem>>, vector<16xi32>,
    %get3A_110 = vector.shape_cast %get3A_109 : vector<16xi32> to vector<16xi32>
    %jit3A_111 = arith.constant 0 : i32
    %jit3A_112 = arith.constant 7 : i32
    %max3A_113 = vector.broadcast %jit3A_111 : i32 to vector<16xi32>
    %max3A_114 = arith.maxsi %max3A_113, %get3A_110 : vector<16xi32>
    %min3A_115 = vector.broadcast %jit3A_112 : i32 to vector<16xi32>
    %min3A_116 = arith.minsi %min3A_115, %max3A_114 : vector<16xi32>
    %mul3A_117 = arith.constant 64 : i32
    %mul3A_118 = vector.broadcast %mul3A_117 : i32 to vector<16xi32>
    %mul3A_119 = arith.muli %min3A_98, %mul3A_118 : vector<16xi32>
    %mul3A_120 = arith.constant 8 : i32
    %mul3A_121 = vector.broadcast %mul3A_120 : i32 to vector<16xi32>
    %mul3A_122 = arith.muli %min3A_107, %mul3A_121 : vector<16xi32>
    %add3A_123 = arith.addi %mul3A_119, %mul3A_122 : vector<16xi32>
    %add3A_124 = arith.addi %add3A_123, %min3A_116 : vector<16xi32>
    %swap3A_125 = arith.constant 0 : i32
    %swap3A_126 = arith.index_cast %swap3A_125 : i32 to index
    %swap3A_127 = arith.constant 32 : index
    %swap3A_128 = tpu.vector_load %arg10[%swap3A_126, %swap3A_127] {strides = array<i32>} : memref<4x128xi32, #tpu.memory_space<vmem>>, vector<1x16xi32>,
    %swap3A_129 = vector.shape_cast %swap3A_128 : vector<1x16xi32> to vector<16xi32>
    %swap3A_130 = vector.shape_cast %add3A_124 : vector<16xi32> to vector<1x16xi32>
    tpu.vector_store %arg10[%swap3A_126, %swap3A_127], %swap3A_130 {strides = array<i32>} : memref<4x128xi32, #tpu.memory_space<vmem>>, vector<1x16xi32>,
    %get3A_131 = arith.constant 48 : index
    %get3A_132 = tpu.vector_load %arg7[%get3A_131] {strides = array<i32>} : memref<512xi32, #tpu.memory_space<vmem>>, vector<16xi32>,
    %get3A_133 = vector.shape_cast %get3A_132 : vector<16xi32> to vector<16xi32>
    %jit3A_134 = arith.constant 0 : i32
    %jit3A_135 = arith.constant 7 : i32
    %max3A_136 = vector.broadcast %jit3A_134 : i32 to vector<16xi32>
    %max3A_137 = arith.maxsi %max3A_136, %get3A_133 : vector<16xi32>
    %min3A_138 = vector.broadcast %jit3A_135 : i32 to vector<16xi32>
    %min3A_139 = arith.minsi %min3A_138, %max3A_137 : vector<16xi32>
    %get3A_140 = arith.constant 48 : index
    %get3A_141 = tpu.vector_load %arg8[%get3A_140] {strides = array<i32>} : memref<512xi32, #tpu.memory_space<vmem>>, vector<16xi32>,
    %get3A_142 = vector.shape_cast %get3A_141 : vector<16xi32> to vector<16xi32>
    %jit3A_143 = arith.constant 0 : i32
    %jit3A_144 = arith.constant 7 : i32
    %max3A_145 = vector.broadcast %jit3A_143 : i32 to vector<16xi32>
    %max3A_146 = arith.maxsi %max3A_145, %get3A_142 : vector<16xi32>
    %min3A_147 = vector.broadcast %jit3A_144 : i32 to vector<16xi32>
    %min3A_148 = arith.minsi %min3A_147, %max3A_146 : vector<16xi32>
    %get3A_149 = arith.constant 48 : index
    %get3A_150 = tpu.vector_load %arg9[%get3A_149] {strides = array<i32>} : memref<512xi32, #tpu.memory_space<vmem>>, vector<16xi32>,
    %get3A_151 = vector.shape_cast %get3A_150 : vector<16xi32> to vector<16xi32>
    %jit3A_152 = arith.constant 0 : i32
    %jit3A_153 = arith.constant 7 : i32
    %max3A_154 = vector.broadcast %jit3A_152 : i32 to vector<16xi32>
    %max3A_155 = arith.maxsi %max3A_154, %get3A_151 : vector<16xi32>
    %min3A_156 = vector.broadcast %jit3A_153 : i32 to vector<16xi32>
    %min3A_157 = arith.minsi %min3A_156, %max3A_155 : vector<16xi32>
    %mul3A_158 = arith.constant 64 : i32
    %mul3A_159 = vector.broadcast %mul3A_158 : i32 to vector<16xi32>
    %mul3A_160 = arith.muli %min3A_139, %mul3A_159 : vector<16xi32>
    %mul3A_161 = arith.constant 8 : i32
    %mul3A_162 = vector.broadcast %mul3A_161 : i32 to vector<16xi32>
    %mul3A_163 = arith.muli %min3A_148, %mul3A_162 : vector<16xi32>
    %add3A_164 = arith.addi %mul3A_160, %mul3A_163 : vector<16xi32>
    %add3A_165 = arith.addi %add3A_164, %min3A_157 : vector<16xi32>
    %swap3A_166 = arith.constant 0 : i32
    %swap3A_167 = arith.index_cast %swap3A_166 : i32 to index
    %swap3A_168 = arith.constant 48 : index
    %swap3A_169 = tpu.vector_load %arg10[%swap3A_167, %swap3A_168] {strides = array<i32>} : memref<4x128xi32, #tpu.memory_space<vmem>>, vector<1x16xi32>,
    %swap3A_170 = vector.shape_cast %swap3A_169 : vector<1x16xi32> to vector<16xi32>
    %swap3A_171 = vector.shape_cast %add3A_165 : vector<16xi32> to vector<1x16xi32>
    tpu.vector_store %arg10[%swap3A_167, %swap3A_168], %swap3A_171 {strides = array<i32>} : memref<4x128xi32, #tpu.memory_space<vmem>>, vector<1x16xi32>,
    %get3A_172 = arith.constant 64 : index
    %get3A_173 = tpu.vector_load %arg7[%get3A_172] {strides = array<i32>} : memref<512xi32, #tpu.memory_space<vmem>>, vector<16xi32>,
    %get3A_174 = vector.shape_cast %get3A_173 : vector<16xi32> to vector<16xi32>
    %jit3A_175 = arith.constant 0 : i32
    %jit3A_176 = arith.constant 7 : i32
    %max3A_177 = vector.broadcast %jit3A_175 : i32 to vector<16xi32>
    %max3A_178 = arith.maxsi %max3A_177, %get3A_174 : vector<16xi32>
    %min3A_179 = vector.broadcast %jit3A_176 : i32 to vector<16xi32>
    %min3A_180 = arith.minsi %min3A_179, %max3A_178 : vector<16xi32>
    %get3A_181 = arith.constant 64 : index
    %get3A_182 = tpu.vector_load %arg8[%get3A_181] {strides = array<i32>} : memref<512xi32, #tpu.memory_space<vmem>>, vector<16xi32>,
    %get3A_183 = vector.shape_cast %get3A_182 : vector<16xi32> to vector<16xi32>
    %jit3A_184 = arith.constant 0 : i32
    %jit3A_185 = arith.constant 7 : i32
    %max3A_186 = vector.broadcast %jit3A_184 : i32 to vector<16xi32>
    %max3A_187 = arith.maxsi %max3A_186, %get3A_183 : vector<16xi32>
    %min3A_188 = vector.broadcast %jit3A_185 : i32 to vector<16xi32>
    %min3A_189 = arith.minsi %min3A_188, %max3A_187 : vector<16xi32>
    %get3A_190 = arith.constant 64 : index
    %get3A_191 = tpu.vector_load %arg9[%get3A_190] {strides = array<i32>} : memref<512xi32, #tpu.memory_space<vmem>>, vector<16xi32>,
    %get3A_192 = vector.shape_cast %get3A_191 : vector<16xi32> to vector<16xi32>
    %jit3A_193 = arith.constant 0 : i32
    %jit3A_194 = arith.constant 7 : i32
    %max3A_195 = vector.broadcast %jit3A_193 : i32 to vector<16xi32>
    %max3A_196 = arith.maxsi %max3A_195, %get3A_192 : vector<16xi32>
    %min3A_197 = vector.broadcast %jit3A_194 : i32 to vector<16xi32>
    %min3A_198 = arith.minsi %min3A_197, %max3A_196 : vector<16xi32>
    %mul3A_199 = arith.constant 64 : i32
    %mul3A_200 = vector.broadcast %mul3A_199 : i32 to vector<16xi32>
    %mul3A_201 = arith.muli %min3A_180, %mul3A_200 : vector<16xi32>
    %mul3A_202 = arith.constant 8 : i32
    %mul3A_203 = vector.broadcast %mul3A_202 : i32 to vector<16xi32>
    %mul3A_204 = arith.muli %min3A_189, %mul3A_203 : vector<16xi32>
    %add3A_205 = arith.addi %mul3A_201, %mul3A_204 : vector<16xi32>
    %add3A_206 = arith.addi %add3A_205, %min3A_198 : vector<16xi32>
    %swap3A_207 = arith.constant 0 : i32
    %swap3A_208 = arith.index_cast %swap3A_207 : i32 to index
    %swap3A_209 = arith.constant 64 : index
    %swap3A_210 = tpu.vector_load %arg10[%swap3A_208, %swap3A_209] {strides = array<i32>} : memref<4x128xi32, #tpu.memory_space<vmem>>, vector<1x16xi32>,
    %swap3A_211 = vector.shape_cast %swap3A_210 : vector<1x16xi32> to vector<16xi32>
    %swap3A_212 = vector.shape_cast %add3A_206 : vector<16xi32> to vector<1x16xi32>
    tpu.vector_store %arg10[%swap3A_208, %swap3A_209], %swap3A_212 {strides = array<i32>} : memref<4x128xi32, #tpu.memory_space<vmem>>, vector<1x16xi32>,
    %get3A_213 = arith.constant 80 : index
    %get3A_214 = tpu.vector_load %arg7[%get3A_213] {strides = array<i32>} : memref<512xi32, #tpu.memory_space<vmem>>, vector<16xi32>,
    %get3A_215 = vector.shape_cast %get3A_214 : vector<16xi32> to vector<16xi32>
    %jit3A_216 = arith.constant 0 : i32
    %jit3A_217 = arith.constant 7 : i32
    %max3A_218 = vector.broadcast %jit3A_216 : i32 to vector<16xi32>
    %max3A_219 = arith.maxsi %max3A_218, %get3A_215 : vector<16xi32>
    %min3A_220 = vector.broadcast %jit3A_217 : i32 to vector<16xi32>
    %min3A_221 = arith.minsi %min3A_220, %max3A_219 : vector<16xi32>
    %get3A_222 = arith.constant 80 : index
    %get3A_223 = tpu.vector_load %arg8[%get3A_222] {strides = array<i32>} : memref<512xi32, #tpu.memory_space<vmem>>, vector<16xi32>,
    %get3A_224 = vector.shape_cast %get3A_223 : vector<16xi32> to vector<16xi32>
    %jit3A_225 = arith.constant 0 : i32
    %jit3A_226 = arith.constant 7 : i32
    %max3A_227 = vector.broadcast %jit3A_225 : i32 to vector<16xi32>
    %max3A_228 = arith.maxsi %max3A_227, %get3A_224 : vector<16xi32>
    %min3A_229 = vector.broadcast %jit3A_226 : i32 to vector<16xi32>
    %min3A_230 = arith.minsi %min3A_229, %max3A_228 : vector<16xi32>
    %get3A_231 = arith.constant 80 : index
    %get3A_232 = tpu.vector_load %arg9[%get3A_231] {strides = array<i32>} : memref<512xi32, #tpu.memory_space<vmem>>, vector<16xi32>,
    %get3A_233 = vector.shape_cast %get3A_232 : vector<16xi32> to vector<16xi32>
    %jit3A_234 = arith.constant 0 : i32
    %jit3A_235 = arith.constant 7 : i32
    %max3A_236 = vector.broadcast %jit3A_234 : i32 to vector<16xi32>
    %max3A_237 = arith.maxsi %max3A_236, %get3A_233 : vector<16xi32>
    %min3A_238 = vector.broadcast %jit3A_235 : i32 to vector<16xi32>
    %min3A_239 = arith.minsi %min3A_238, %max3A_237 : vector<16xi32>
    %mul3A_240 = arith.constant 64 : i32
    %mul3A_241 = vector.broadcast %mul3A_240 : i32 to vector<16xi32>
    %mul3A_242 = arith.muli %min3A_221, %mul3A_241 : vector<16xi32>
    %mul3A_243 = arith.constant 8 : i32
    %mul3A_244 = vector.broadcast %mul3A_243 : i32 to vector<16xi32>
    %mul3A_245 = arith.muli %min3A_230, %mul3A_244 : vector<16xi32>
    %add3A_246 = arith.addi %mul3A_242, %mul3A_245 : vector<16xi32>
    %add3A_247 = arith.addi %add3A_246, %min3A_239 : vector<16xi32>
    %swap3A_248 = arith.constant 0 : i32
    %swap3A_249 = arith.index_cast %swap3A_248 : i32 to index
    %swap3A_250 = arith.constant 80 : index
    %swap3A_251 = tpu.vector_load %arg10[%swap3A_249, %swap3A_250] {strides = array<i32>} : memref<4x128xi32, #tpu.memory_space<vmem>>, vector<1x16xi32>,
    %swap3A_252 = vector.shape_cast %swap3A_251 : vector<1x16xi32> to vector<16xi32>
    %swap3A_253 = vector.shape_cast %add3A_247 : vector<16xi32> to vector<1x16xi32>
    tpu.vector_store %arg10[%swap3A_249, %swap3A_250], %swap3A_253 {strides = array<i32>} : memref<4x128xi32, #tpu.memory_space<vmem>>, vector<1x16xi32>,
    %get3A_254 = arith.constant 96 : index
    %get3A_255 = tpu.vector_load %arg7[%get3A_254] {strides = array<i32>} : memref<512xi32, #tpu.memory_space<vmem>>, vector<16xi32>,
    %get3A_256 = vector.shape_cast %get3A_255 : vector<16xi32> to vector<16xi32>
    %jit3A_257 = arith.constant 0 : i32
    %jit3A_258 = arith.constant 7 : i32
    %max3A_259 = vector.broadcast %jit3A_257 : i32 to vector<16xi32>
    %max3A_260 = arith.maxsi %max3A_259, %get3A_256 : vector<16xi32>
    %min3A_261 = vector.broadcast %jit3A_258 : i32 to vector<16xi32>
    %min3A_262 = arith.minsi %min3A_261, %max3A_260 : vector<16xi32>
    %get3A_263 = arith.constant 96 : index
    %get3A_264 = tpu.vector_load %arg8[%get3A_263] {strides = array<i32>} : memref<512xi32, #tpu.memory_space<vmem>>, vector<16xi32>,
    %get3A_265 = vector.shape_cast %get3A_264 : vector<16xi32> to vector<16xi32>
    %jit3A_266 = arith.constant 0 : i32
    %jit3A_267 = arith.constant 7 : i32
    %max3A_268 = vector.broadcast %jit3A_266 : i32 to vector<16xi32>
    %max3A_269 = arith.maxsi %max3A_268, %get3A_265 : vector<16xi32>
    %min3A_270 = vector.broadcast %jit3A_267 : i32 to vector<16xi32>
    %min3A_271 = arith.minsi %min3A_270, %max3A_269 : vector<16xi32>
    %get3A_272 = arith.constant 96 : index
    %get3A_273 = tpu.vector_load %arg9[%get3A_272] {strides = array<i32>} : memref<512xi32, #tpu.memory_space<vmem>>, vector<16xi32>,
    %get3A_274 = vector.shape_cast %get3A_273 : vector<16xi32> to vector<16xi32>
    %jit3A_275 = arith.constant 0 : i32
    %jit3A_276 = arith.constant 7 : i32
    %max3A_277 = vector.broadcast %jit3A_275 : i32 to vector<16xi32>
    %max3A_278 = arith.maxsi %max3A_277, %get3A_274 : vector<16xi32>
    %min3A_279 = vector.broadcast %jit3A_276 : i32 to vector<16xi32>
    %min3A_280 = arith.minsi %min3A_279, %max3A_278 : vector<16xi32>
    %mul3A_281 = arith.constant 64 : i32
    %mul3A_282 = vector.broadcast %mul3A_281 : i32 to vector<16xi32>
    %mul3A_283 = arith.muli %min3A_262, %mul3A_282 : vector<16xi32>
    %mul3A_284 = arith.constant 8 : i32
    %mul3A_285 = vector.broadcast %mul3A_284 : i32 to vector<16xi32>
    %mul3A_286 = arith.muli %min3A_271, %mul3A_285 : vector<16xi32>
    %add3A_287 = arith.addi %mul3A_283, %mul3A_286 : vector<16xi32>
    %add3A_288 = arith.addi %add3A_287, %min3A_280 : vector<16xi32>
    %swap3A_289 = arith.constant 0 : i32
    %swap3A_290 = arith.index_cast %swap3A_289 : i32 to index
    %swap3A_291 = arith.constant 96 : index
    %swap3A_292 = tpu.vector_load %arg10[%swap3A_290, %swap3A_291] {strides = array<i32>} : memref<4x128xi32, #tpu.memory_space<vmem>>, vector<1x16xi32>,
    %swap3A_293 = vector.shape_cast %swap3A_292 : vector<1x16xi32> to vector<16xi32>
    %swap3A_294 = vector.shape_cast %add3A_288 : vector<16xi32> to vector<1x16xi32>
    tpu.vector_store %arg10[%swap3A_290, %swap3A_291], %swap3A_294 {strides = array<i32>} : memref<4x128xi32, #tpu.memory_space<vmem>>, vector<1x16xi32>,
    %get3A_295 = arith.constant 112 : index
    %get3A_296 = tpu.vector_load %arg7[%get3A_295] {strides = array<i32>} : memref<512xi32, #tpu.memory_space<vmem>>, vector<16xi32>,
    %get3A_297 = vector.shape_cast %get3A_296 : vector<16xi32> to vector<16xi32>
    %jit3A_298 = arith.constant 0 : i32
    %jit3A_299 = arith.constant 7 : i32
    %max3A_300 = vector.broadcast %jit3A_298 : i32 to vector<16xi32>
    %max3A_301 = arith.maxsi %max3A_300, %get3A_297 : vector<16xi32>
    %min3A_302 = vector.broadcast %jit3A_299 : i32 to vector<16xi32>
    %min3A_303 = arith.minsi %min3A_302, %max3A_301 : vector<16xi32>
    %get3A_304 = arith.constant 112 : index
    %get3A_305 = tpu.vector_load %arg8[%get3A_304] {strides = array<i32>} : memref<512xi32, #tpu.memory_space<vmem>>, vector<16xi32>,
    %get3A_306 = vector.shape_cast %get3A_305 : vector<16xi32> to vector<16xi32>
    %jit3A_307 = arith.constant 0 : i32
    %jit3A_308 = arith.constant 7 : i32
    %max3A_309 = vector.broadcast %jit3A_307 : i32 to vector<16xi32>
    %max3A_310 = arith.maxsi %max3A_309, %get3A_306 : vector<16xi32>
    %min3A_311 = vector.broadcast %jit3A_308 : i32 to vector<16xi32>
    %min3A_312 = arith.minsi %min3A_311, %max3A_310 : vector<16xi32>
    %get3A_313 = arith.constant 112 : index
    %get3A_314 = tpu.vector_load %arg9[%get3A_313] {strides = array<i32>} : memref<512xi32, #tpu.memory_space<vmem>>, vector<16xi32>,
    %get3A_315 = vector.shape_cast %get3A_314 : vector<16xi32> to vector<16xi32>
    %jit3A_316 = arith.constant 0 : i32
    %jit3A_317 = arith.constant 7 : i32
    %max3A_318 = vector.broadcast %jit3A_316 : i32 to vector<16xi32>
    %max3A_319 = arith.maxsi %max3A_318, %get3A_315 : vector<16xi32>
    %min3A_320 = vector.broadcast %jit3A_317 : i32 to vector<16xi32>
    %min3A_321 = arith.minsi %min3A_320, %max3A_319 : vector<16xi32>
    %mul3A_322 = arith.constant 64 : i32
    %mul3A_323 = vector.broadcast %mul3A_322 : i32 to vector<16xi32>
    %mul3A_324 = arith.muli %min3A_303, %mul3A_323 : vector<16xi32>
    %mul3A_325 = arith.constant 8 : i32
    %mul3A_326 = vector.broadcast %mul3A_325 : i32 to vector<16xi32>
    %mul3A_327 = arith.muli %min3A_312, %mul3A_326 : vector<16xi32>
    %add3A_328 = arith.addi %mul3A_324, %mul3A_327 : vector<16xi32>
    %add3A_329 = arith.addi %add3A_328, %min3A_321 : vector<16xi32>
    %swap3A_330 = arith.constant 0 : i32
    %swap3A_331 = arith.index_cast %swap3A_330 : i32 to index
    %swap3A_332 = arith.constant 112 : index
    %swap3A_333 = tpu.vector_load %arg10[%swap3A_331, %swap3A_332] {strides = array<i32>} : memref<4x128xi32, #tpu.memory_space<vmem>>, vector<1x16xi32>,
    %swap3A_334 = vector.shape_cast %swap3A_333 : vector<1x16xi32> to vector<16xi32>
    %swap3A_335 = vector.shape_cast %add3A_329 : vector<16xi32> to vector<1x16xi32>
    tpu.vector_store %arg10[%swap3A_331, %swap3A_332], %swap3A_335 {strides = array<i32>} : memref<4x128xi32, #tpu.memory_space<vmem>>, vector<1x16xi32>,
    %dma_start3A_336 = arith.constant 0 : i32
    %dma_start3A_337 = arith.constant 0 : i32
    %dma_start3A_338 = arith.constant 0 : i32
    %dma_start3A_339 = tpu.memref_slice %arg11[%dma_start3A_337, %dma_start3A_338] : memref<512x128xf32, #tpu.memory_space<vmem>> -> memref<128x128xf32, #tpu.memory_space<vmem>>
    %dma_start3A_340 = arith.constant 0 : i32
    %dma_start3A_341 = tpu.memref_slice %arg10[%dma_start3A_336, %dma_start3A_340] : memref<4x128xi32, #tpu.memory_space<vmem>> -> memref<1x128xi32, #tpu.memory_space<vmem>>
    %dma_start3A_342 = tpu.memref_squeeze %dma_start3A_341 : memref<1x128xi32, #tpu.memory_space<vmem>> -> memref<128xi32, #tpu.memory_space<vmem>>
    %dma_start3A_343 = arith.constant 0 : i32
    %dma_start3A_344 = arith.constant 0 : i32
    %dma_start3A_345 = tpu.memref_slice %arg2[%dma_start3A_343, %dma_start3A_344] : memref<512x128xf32, #tpu.memory_space<hbm>> -> memref<512x128xf32, #tpu.memory_space<hbm>>
    tpu.enqueue_indirect_dma source(%dma_start3A_345 : memref<512x128xf32, #tpu.memory_space<hbm>>) target(%dma_start3A_339 : memref<128x128xf32, #tpu.memory_space<vmem>>) offsets(%dma_start3A_342 : memref<128xi32, #tpu.memory_space<vmem>>) semaphore(%arg13 : memref<!tpu.dma_semaphore, #tpu.memory_space<semaphore_mem>>)
    %get3A_346 = arith.constant 128 : index
    %get3A_347 = tpu.vector_load %arg7[%get3A_346] {strides = array<i32>} : memref<512xi32, #tpu.memory_space<vmem>>, vector<16xi32>,
    %get3A_348 = vector.shape_cast %get3A_347 : vector<16xi32> to vector<16xi32>
    %jit3A_349 = arith.constant 0 : i32
    %jit3A_350 = arith.constant 7 : i32
    %max3A_351 = vector.broadcast %jit3A_349 : i32 to vector<16xi32>
    %max3A_352 = arith.maxsi %max3A_351, %get3A_348 : vector<16xi32>
    %min3A_353 = vector.broadcast %jit3A_350 : i32 to vector<16xi32>
    %min3A_354 = arith.minsi %min3A_353, %max3A_352 : vector<16xi32>
    %get3A_355 = arith.constant 128 : index
    %get3A_356 = tpu.vector_load %arg8[%get3A_355] {strides = array<i32>} : memref<512xi32, #tpu.memory_space<vmem>>, vector<16xi32>,
    %get3A_357 = vector.shape_cast %get3A_356 : vector<16xi32> to vector<16xi32>
    %jit3A_358 = arith.constant 0 : i32
    %jit3A_359 = arith.constant 7 : i32
    %max3A_360 = vector.broadcast %jit3A_358 : i32 to vector<16xi32>
    %max3A_361 = arith.maxsi %max3A_360, %get3A_357 : vector<16xi32>
    %min3A_362 = vector.broadcast %jit3A_359 : i32 to vector<16xi32>
    %min3A_363 = arith.minsi %min3A_362, %max3A_361 : vector<16xi32>
    %get3A_364 = arith.constant 128 : index
    %get3A_365 = tpu.vector_load %arg9[%get3A_364] {strides = array<i32>} : memref<512xi32, #tpu.memory_space<vmem>>, vector<16xi32>,
    %get3A_366 = vector.shape_cast %get3A_365 : vector<16xi32> to vector<16xi32>
    %jit3A_367 = arith.constant 0 : i32
    %jit3A_368 = arith.constant 7 : i32
    %max3A_369 = vector.broadcast %jit3A_367 : i32 to vector<16xi32>
    %max3A_370 = arith.maxsi %max3A_369, %get3A_366 : vector<16xi32>
    %min3A_371 = vector.broadcast %jit3A_368 : i32 to vector<16xi32>
    %min3A_372 = arith.minsi %min3A_371, %max3A_370 : vector<16xi32>
    %mul3A_373 = arith.constant 64 : i32
    %mul3A_374 = vector.broadcast %mul3A_373 : i32 to vector<16xi32>
    %mul3A_375 = arith.muli %min3A_354, %mul3A_374 : vector<16xi32>
    %mul3A_376 = arith.constant 8 : i32
    %mul3A_377 = vector.broadcast %mul3A_376 : i32 to vector<16xi32>
    %mul3A_378 = arith.muli %min3A_363, %mul3A_377 : vector<16xi32>
    %add3A_379 = arith.addi %mul3A_375, %mul3A_378 : vector<16xi32>
    %add3A_380 = arith.addi %add3A_379, %min3A_372 : vector<16xi32>
    %swap3A_381 = arith.constant 1 : i32
    %swap3A_382 = arith.index_cast %swap3A_381 : i32 to index
    %swap3A_383 = arith.constant 0 : index
    %swap3A_384 = tpu.vector_load %arg10[%swap3A_382, %swap3A_383] {strides = array<i32>} : memref<4x128xi32, #tpu.memory_space<vmem>>, vector<1x16xi32>,
    %swap3A_385 = vector.shape_cast %swap3A_384 : vector<1x16xi32> to vector<16xi32>
    %swap3A_386 = vector.shape_cast %add3A_380 : vector<16xi32> to vector<1x16xi32>
    tpu.vector_store %arg10[%swap3A_382, %swap3A_383], %swap3A_386 {strides = array<i32>} : memref<4x128xi32, #tpu.memory_space<vmem>>, vector<1x16xi32>,
    %get3A_387 = arith.constant 144 : index
    %get3A_388 = tpu.vector_load %arg7[%get3A_387] {strides = array<i32>} : memref<512xi32, #tpu.memory_space<vmem>>, vector<16xi32>,
    %get3A_389 = vector.shape_cast %get3A_388 : vector<16xi32> to vector<16xi32>
    %jit3A_390 = arith.constant 0 : i32
    %jit3A_391 = arith.constant 7 : i32
    %max3A_392 = vector.broadcast %jit3A_390 : i32 to vector<16xi32>
    %max3A_393 = arith.maxsi %max3A_392, %get3A_389 : vector<16xi32>
    %min3A_394 = vector.broadcast %jit3A_391 : i32 to vector<16xi32>
    %min3A_395 = arith.minsi %min3A_394, %max3A_393 : vector<16xi32>
    %get3A_396 = arith.constant 144 : index
    %get3A_397 = tpu.vector_load %arg8[%get3A_396] {strides = array<i32>} : memref<512xi32, #tpu.memory_space<vmem>>, vector<16xi32>,
    %get3A_398 = vector.shape_cast %get3A_397 : vector<16xi32> to vector<16xi32>
    %jit3A_399 = arith.constant 0 : i32
    %jit3A_400 = arith.constant 7 : i32
    %max3A_401 = vector.broadcast %jit3A_399 : i32 to vector<16xi32>
    %max3A_402 = arith.maxsi %max3A_401, %get3A_398 : vector<16xi32>
    %min3A_403 = vector.broadcast %jit3A_400 : i32 to vector<16xi32>
    %min3A_404 = arith.minsi %min3A_403, %max3A_402 : vector<16xi32>
    %get3A_405 = arith.constant 144 : index
    %get3A_406 = tpu.vector_load %arg9[%get3A_405] {strides = array<i32>} : memref<512xi32, #tpu.memory_space<vmem>>, vector<16xi32>,
    %get3A_407 = vector.shape_cast %get3A_406 : vector<16xi32> to vector<16xi32>
    %jit3A_408 = arith.constant 0 : i32
    %jit3A_409 = arith.constant 7 : i32
    %max3A_410 = vector.broadcast %jit3A_408 : i32 to vector<16xi32>
    %max3A_411 = arith.maxsi %max3A_410, %get3A_407 : vector<16xi32>
    %min3A_412 = vector.broadcast %jit3A_409 : i32 to vector<16xi32>
    %min3A_413 = arith.minsi %min3A_412, %max3A_411 : vector<16xi32>
    %mul3A_414 = arith.constant 64 : i32
    %mul3A_415 = vector.broadcast %mul3A_414 : i32 to vector<16xi32>
    %mul3A_416 = arith.muli %min3A_395, %mul3A_415 : vector<16xi32>
    %mul3A_417 = arith.constant 8 : i32
    %mul3A_418 = vector.broadcast %mul3A_417 : i32 to vector<16xi32>
    %mul3A_419 = arith.muli %min3A_404, %mul3A_418 : vector<16xi32>
    %add3A_420 = arith.addi %mul3A_416, %mul3A_419 : vector<16xi32>
    %add3A_421 = arith.addi %add3A_420, %min3A_413 : vector<16xi32>
    %swap3A_422 = arith.constant 1 : i32
    %swap3A_423 = arith.index_cast %swap3A_422 : i32 to index
    %swap3A_424 = arith.constant 16 : index
    %swap3A_425 = tpu.vector_load %arg10[%swap3A_423, %swap3A_424] {strides = array<i32>} : memref<4x128xi32, #tpu.memory_space<vmem>>, vector<1x16xi32>,
    %swap3A_426 = vector.shape_cast %swap3A_425 : vector<1x16xi32> to vector<16xi32>
    %swap3A_427 = vector.shape_cast %add3A_421 : vector<16xi32> to vector<1x16xi32>
    tpu.vector_store %arg10[%swap3A_423, %swap3A_424], %swap3A_427 {strides = array<i32>} : memref<4x128xi32, #tpu.memory_space<vmem>>, vector<1x16xi32>,
    %get3A_428 = arith.constant 160 : index
    %get3A_429 = tpu.vector_load %arg7[%get3A_428] {strides = array<i32>} : memref<512xi32, #tpu.memory_space<vmem>>, vector<16xi32>,
    %get3A_430 = vector.shape_cast %get3A_429 : vector<16xi32> to vector<16xi32>
    %jit3A_431 = arith.constant 0 : i32
    %jit3A_432 = arith.constant 7 : i32
    %max3A_433 = vector.broadcast %jit3A_431 : i32 to vector<16xi32>
    %max3A_434 = arith.maxsi %max3A_433, %get3A_430 : vector<16xi32>
    %min3A_435 = vector.broadcast %jit3A_432 : i32 to vector<16xi32>
    %min3A_436 = arith.minsi %min3A_435, %max3A_434 : vector<16xi32>
    %get3A_437 = arith.constant 160 : index
    %get3A_438 = tpu.vector_load %arg8[%get3A_437] {strides = array<i32>} : memref<512xi32, #tpu.memory_space<vmem>>, vector<16xi32>,
    %get3A_439 = vector.shape_cast %get3A_438 : vector<16xi32> to vector<16xi32>
    %jit3A_440 = arith.constant 0 : i32
    %jit3A_441 = arith.constant 7 : i32
    %max3A_442 = vector.broadcast %jit3A_440 : i32 to vector<16xi32>
    %max3A_443 = arith.maxsi %max3A_442, %get3A_439 : vector<16xi32>
    %min3A_444 = vector.broadcast %jit3A_441 : i32 to vector<16xi32>
    %min3A_445 = arith.minsi %min3A_444, %max3A_443 : vector<16xi32>
    %get3A_446 = arith.constant 160 : index
    %get3A_447 = tpu.vector_load %arg9[%get3A_446] {strides = array<i32>} : memref<512xi32, #tpu.memory_space<vmem>>, vector<16xi32>,
    %get3A_448 = vector.shape_cast %get3A_447 : vector<16xi32> to vector<16xi32>
    %jit3A_449 = arith.constant 0 : i32
    %jit3A_450 = arith.constant 7 : i32
    %max3A_451 = vector.broadcast %jit3A_449 : i32 to vector<16xi32>
    %max3A_452 = arith.maxsi %max3A_451, %get3A_448 : vector<16xi32>
    %min3A_453 = vector.broadcast %jit3A_450 : i32 to vector<16xi32>
    %min3A_454 = arith.minsi %min3A_453, %max3A_452 : vector<16xi32>
    %mul3A_455 = arith.constant 64 : i32
    %mul3A_456 = vector.broadcast %mul3A_455 : i32 to vector<16xi32>
    %mul3A_457 = arith.muli %min3A_436, %mul3A_456 : vector<16xi32>
    %mul3A_458 = arith.constant 8 : i32
    %mul3A_459 = vector.broadcast %mul3A_458 : i32 to vector<16xi32>
    %mul3A_460 = arith.muli %min3A_445, %mul3A_459 : vector<16xi32>
    %add3A_461 = arith.addi %mul3A_457, %mul3A_460 : vector<16xi32>
    %add3A_462 = arith.addi %add3A_461, %min3A_454 : vector<16xi32>
    %swap3A_463 = arith.constant 1 : i32
    %swap3A_464 = arith.index_cast %swap3A_463 : i32 to index
    %swap3A_465 = arith.constant 32 : index
    %swap3A_466 = tpu.vector_load %arg10[%swap3A_464, %swap3A_465] {strides = array<i32>} : memref<4x128xi32, #tpu.memory_space<vmem>>, vector<1x16xi32>,
    %swap3A_467 = vector.shape_cast %swap3A_466 : vector<1x16xi32> to vector<16xi32>
    %swap3A_468 = vector.shape_cast %add3A_462 : vector<16xi32> to vector<1x16xi32>
    tpu.vector_store %arg10[%swap3A_464, %swap3A_465], %swap3A_468 {strides = array<i32>} : memref<4x128xi32, #tpu.memory_space<vmem>>, vector<1x16xi32>,
    %get3A_469 = arith.constant 176 : index
    %get3A_470 = tpu.vector_load %arg7[%get3A_469] {strides = array<i32>} : memref<512xi32, #tpu.memory_space<vmem>>, vector<16xi32>,
    %get3A_471 = vector.shape_cast %get3A_470 : vector<16xi32> to vector<16xi32>
    %jit3A_472 = arith.constant 0 : i32
    %jit3A_473 = arith.constant 7 : i32
    %max3A_474 = vector.broadcast %jit3A_472 : i32 to vector<16xi32>
    %max3A_475 = arith.maxsi %max3A_474, %get3A_471 : vector<16xi32>
    %min3A_476 = vector.broadcast %jit3A_473 : i32 to vector<16xi32>
    %min3A_477 = arith.minsi %min3A_476, %max3A_475 : vector<16xi32>
    %get3A_478 = arith.constant 176 : index
    %get3A_479 = tpu.vector_load %arg8[%get3A_478] {strides = array<i32>} : memref<512xi32, #tpu.memory_space<vmem>>, vector<16xi32>,
    %get3A_480 = vector.shape_cast %get3A_479 : vector<16xi32> to vector<16xi32>
    %jit3A_481 = arith.constant 0 : i32
    %jit3A_482 = arith.constant 7 : i32
    %max3A_483 = vector.broadcast %jit3A_481 : i32 to vector<16xi32>
    %max3A_484 = arith.maxsi %max3A_483, %get3A_480 : vector<16xi32>
    %min3A_485 = vector.broadcast %jit3A_482 : i32 to vector<16xi32>
    %min3A_486 = arith.minsi %min3A_485, %max3A_484 : vector<16xi32>
    %get3A_487 = arith.constant 176 : index
    %get3A_488 = tpu.vector_load %arg9[%get3A_487] {strides = array<i32>} : memref<512xi32, #tpu.memory_space<vmem>>, vector<16xi32>,
    %get3A_489 = vector.shape_cast %get3A_488 : vector<16xi32> to vector<16xi32>
    %jit3A_490 = arith.constant 0 : i32
    %jit3A_491 = arith.constant 7 : i32
    %max3A_492 = vector.broadcast %jit3A_490 : i32 to vector<16xi32>
    %max3A_493 = arith.maxsi %max3A_492, %get3A_489 : vector<16xi32>
    %min3A_494 = vector.broadcast %jit3A_491 : i32 to vector<16xi32>
    %min3A_495 = arith.minsi %min3A_494, %max3A_493 : vector<16xi32>
    %mul3A_496 = arith.constant 64 : i32
    %mul3A_497 = vector.broadcast %mul3A_496 : i32 to vector<16xi32>
    %mul3A_498 = arith.muli %min3A_477, %mul3A_497 : vector<16xi32>
    %mul3A_499 = arith.constant 8 : i32
    %mul3A_500 = vector.broadcast %mul3A_499 : i32 to vector<16xi32>
    %mul3A_501 = arith.muli %min3A_486, %mul3A_500 : vector<16xi32>
    %add3A_502 = arith.addi %mul3A_498, %mul3A_501 : vector<16xi32>
    %add3A_503 = arith.addi %add3A_502, %min3A_495 : vector<16xi32>
    %swap3A_504 = arith.constant 1 : i32
    %swap3A_505 = arith.index_cast %swap3A_504 : i32 to index
    %swap3A_506 = arith.constant 48 : index
    %swap3A_507 = tpu.vector_load %arg10[%swap3A_505, %swap3A_506] {strides = array<i32>} : memref<4x128xi32, #tpu.memory_space<vmem>>, vector<1x16xi32>,
    %swap3A_508 = vector.shape_cast %swap3A_507 : vector<1x16xi32> to vector<16xi32>
    %swap3A_509 = vector.shape_cast %add3A_503 : vector<16xi32> to vector<1x16xi32>
    tpu.vector_store %arg10[%swap3A_505, %swap3A_506], %swap3A_509 {strides = array<i32>} : memref<4x128xi32, #tpu.memory_space<vmem>>, vector<1x16xi32>,
    %get3A_510 = arith.constant 192 : index
    %get3A_511 = tpu.vector_load %arg7[%get3A_510] {strides = array<i32>} : memref<512xi32, #tpu.memory_space<vmem>>, vector<16xi32>,
    %get3A_512 = vector.shape_cast %get3A_511 : vector<16xi32> to vector<16xi32>
    %jit3A_513 = arith.constant 0 : i32
    %jit3A_514 = arith.constant 7 : i32
    %max3A_515 = vector.broadcast %jit3A_513 : i32 to vector<16xi32>
    %max3A_516 = arith.maxsi %max3A_515, %get3A_512 : vector<16xi32>
    %min3A_517 = vector.broadcast %jit3A_514 : i32 to vector<16xi32>
    %min3A_518 = arith.minsi %min3A_517, %max3A_516 : vector<16xi32>
    %get3A_519 = arith.constant 192 : index
    %get3A_520 = tpu.vector_load %arg8[%get3A_519] {strides = array<i32>} : memref<512xi32, #tpu.memory_space<vmem>>, vector<16xi32>,
    %get3A_521 = vector.shape_cast %get3A_520 : vector<16xi32> to vector<16xi32>
    %jit3A_522 = arith.constant 0 : i32
    %jit3A_523 = arith.constant 7 : i32
    %max3A_524 = vector.broadcast %jit3A_522 : i32 to vector<16xi32>
    %max3A_525 = arith.maxsi %max3A_524, %get3A_521 : vector<16xi32>
    %min3A_526 = vector.broadcast %jit3A_523 : i32 to vector<16xi32>
    %min3A_527 = arith.minsi %min3A_526, %max3A_525 : vector<16xi32>
    %get3A_528 = arith.constant 192 : index
    %get3A_529 = tpu.vector_load %arg9[%get3A_528] {strides = array<i32>} : memref<512xi32, #tpu.memory_space<vmem>>, vector<16xi32>,
    %get3A_530 = vector.shape_cast %get3A_529 : vector<16xi32> to vector<16xi32>
    %jit3A_531 = arith.constant 0 : i32
    %jit3A_532 = arith.constant 7 : i32
    %max3A_533 = vector.broadcast %jit3A_531 : i32 to vector<16xi32>
    %max3A_534 = arith.maxsi %max3A_533, %get3A_530 : vector<16xi32>
    %min3A_535 = vector.broadcast %jit3A_532 : i32 to vector<16xi32>
    %min3A_536 = arith.minsi %min3A_535, %max3A_534 : vector<16xi32>
    %mul3A_537 = arith.constant 64 : i32
    %mul3A_538 = vector.broadcast %mul3A_537 : i32 to vector<16xi32>
    %mul3A_539 = arith.muli %min3A_518, %mul3A_538 : vector<16xi32>
    %mul3A_540 = arith.constant 8 : i32
    %mul3A_541 = vector.broadcast %mul3A_540 : i32 to vector<16xi32>
    %mul3A_542 = arith.muli %min3A_527, %mul3A_541 : vector<16xi32>
    %add3A_543 = arith.addi %mul3A_539, %mul3A_542 : vector<16xi32>
    %add3A_544 = arith.addi %add3A_543, %min3A_536 : vector<16xi32>
    %swap3A_545 = arith.constant 1 : i32
    %swap3A_546 = arith.index_cast %swap3A_545 : i32 to index
    %swap3A_547 = arith.constant 64 : index
    %swap3A_548 = tpu.vector_load %arg10[%swap3A_546, %swap3A_547] {strides = array<i32>} : memref<4x128xi32, #tpu.memory_space<vmem>>, vector<1x16xi32>,
    %swap3A_549 = vector.shape_cast %swap3A_548 : vector<1x16xi32> to vector<16xi32>
    %swap3A_550 = vector.shape_cast %add3A_544 : vector<16xi32> to vector<1x16xi32>
    tpu.vector_store %arg10[%swap3A_546, %swap3A_547], %swap3A_550 {strides = array<i32>} : memref<4x128xi32, #tpu.memory_space<vmem>>, vector<1x16xi32>,
    %get3A_551 = arith.constant 208 : index
    %get3A_552 = tpu.vector_load %arg7[%get3A_551] {strides = array<i32>} : memref<512xi32, #tpu.memory_space<vmem>>, vector<16xi32>,
    %get3A_553 = vector.shape_cast %get3A_552 : vector<16xi32> to vector<16xi32>
    %jit3A_554 = arith.constant 0 : i32
    %jit3A_555 = arith.constant 7 : i32
    %max3A_556 = vector.broadcast %jit3A_554 : i32 to vector<16xi32>
    %max3A_557 = arith.maxsi %max3A_556, %get3A_553 : vector<16xi32>
    %min3A_558 = vector.broadcast %jit3A_555 : i32 to vector<16xi32>
    %min3A_559 = arith.minsi %min3A_558, %max3A_557 : vector<16xi32>
    %get3A_560 = arith.constant 208 : index
    %get3A_561 = tpu.vector_load %arg8[%get3A_560] {strides = array<i32>} : memref<512xi32, #tpu.memory_space<vmem>>, vector<16xi32>,
    %get3A_562 = vector.shape_cast %get3A_561 : vector<16xi32> to vector<16xi32>
    %jit3A_563 = arith.constant 0 : i32
    %jit3A_564 = arith.constant 7 : i32
    %max3A_565 = vector.broadcast %jit3A_563 : i32 to vector<16xi32>
    %max3A_566 = arith.maxsi %max3A_565, %get3A_562 : vector<16xi32>
    %min3A_567 = vector.broadcast %jit3A_564 : i32 to vector<16xi32>
    %min3A_568 = arith.minsi %min3A_567, %max3A_566 : vector<16xi32>
    %get3A_569 = arith.constant 208 : index
    %get3A_570 = tpu.vector_load %arg9[%get3A_569] {strides = array<i32>} : memref<512xi32, #tpu.memory_space<vmem>>, vector<16xi32>,
    %get3A_571 = vector.shape_cast %get3A_570 : vector<16xi32> to vector<16xi32>
    %jit3A_572 = arith.constant 0 : i32
    %jit3A_573 = arith.constant 7 : i32
    %max3A_574 = vector.broadcast %jit3A_572 : i32 to vector<16xi32>
    %max3A_575 = arith.maxsi %max3A_574, %get3A_571 : vector<16xi32>
    %min3A_576 = vector.broadcast %jit3A_573 : i32 to vector<16xi32>
    %min3A_577 = arith.minsi %min3A_576, %max3A_575 : vector<16xi32>
    %mul3A_578 = arith.constant 64 : i32
    %mul3A_579 = vector.broadcast %mul3A_578 : i32 to vector<16xi32>
    %mul3A_580 = arith.muli %min3A_559, %mul3A_579 : vector<16xi32>
    %mul3A_581 = arith.constant 8 : i32
    %mul3A_582 = vector.broadcast %mul3A_581 : i32 to vector<16xi32>
    %mul3A_583 = arith.muli %min3A_568, %mul3A_582 : vector<16xi32>
    %add3A_584 = arith.addi %mul3A_580, %mul3A_583 : vector<16xi32>
    %add3A_585 = arith.addi %add3A_584, %min3A_577 : vector<16xi32>
    %swap3A_586 = arith.constant 1 : i32
    %swap3A_587 = arith.index_cast %swap3A_586 : i32 to index
    %swap3A_588 = arith.constant 80 : index
    %swap3A_589 = tpu.vector_load %arg10[%swap3A_587, %swap3A_588] {strides = array<i32>} : memref<4x128xi32, #tpu.memory_space<vmem>>, vector<1x16xi32>,
    %swap3A_590 = vector.shape_cast %swap3A_589 : vector<1x16xi32> to vector<16xi32>
    %swap3A_591 = vector.shape_cast %add3A_585 : vector<16xi32> to vector<1x16xi32>
    tpu.vector_store %arg10[%swap3A_587, %swap3A_588], %swap3A_591 {strides = array<i32>} : memref<4x128xi32, #tpu.memory_space<vmem>>, vector<1x16xi32>,
    %get3A_592 = arith.constant 224 : index
    %get3A_593 = tpu.vector_load %arg7[%get3A_592] {strides = array<i32>} : memref<512xi32, #tpu.memory_space<vmem>>, vector<16xi32>,
    %get3A_594 = vector.shape_cast %get3A_593 : vector<16xi32> to vector<16xi32>
    %jit3A_595 = arith.constant 0 : i32
    %jit3A_596 = arith.constant 7 : i32
    %max3A_597 = vector.broadcast %jit3A_595 : i32 to vector<16xi32>
    %max3A_598 = arith.maxsi %max3A_597, %get3A_594 : vector<16xi32>
    %min3A_599 = vector.broadcast %jit3A_596 : i32 to vector<16xi32>
    %min3A_600 = arith.minsi %min3A_599, %max3A_598 : vector<16xi32>
    %get3A_601 = arith.constant 224 : index
    %get3A_602 = tpu.vector_load %arg8[%get3A_601] {strides = array<i32>} : memref<512xi32, #tpu.memory_space<vmem>>, vector<16xi32>,
    %get3A_603 = vector.shape_cast %get3A_602 : vector<16xi32> to vector<16xi32>
    %jit3A_604 = arith.constant 0 : i32
    %jit3A_605 = arith.constant 7 : i32
    %max3A_606 = vector.broadcast %jit3A_604 : i32 to vector<16xi32>
    %max3A_607 = arith.maxsi %max3A_606, %get3A_603 : vector<16xi32>
    %min3A_608 = vector.broadcast %jit3A_605 : i32 to vector<16xi32>
    %min3A_609 = arith.minsi %min3A_608, %max3A_607 : vector<16xi32>
    %get3A_610 = arith.constant 224 : index
    %get3A_611 = tpu.vector_load %arg9[%get3A_610] {strides = array<i32>} : memref<512xi32, #tpu.memory_space<vmem>>, vector<16xi32>,
    %get3A_612 = vector.shape_cast %get3A_611 : vector<16xi32> to vector<16xi32>
    %jit3A_613 = arith.constant 0 : i32
    %jit3A_614 = arith.constant 7 : i32
    %max3A_615 = vector.broadcast %jit3A_613 : i32 to vector<16xi32>
    %max3A_616 = arith.maxsi %max3A_615, %get3A_612 : vector<16xi32>
    %min3A_617 = vector.broadcast %jit3A_614 : i32 to vector<16xi32>
    %min3A_618 = arith.minsi %min3A_617, %max3A_616 : vector<16xi32>
    %mul3A_619 = arith.constant 64 : i32
    %mul3A_620 = vector.broadcast %mul3A_619 : i32 to vector<16xi32>
    %mul3A_621 = arith.muli %min3A_600, %mul3A_620 : vector<16xi32>
    %mul3A_622 = arith.constant 8 : i32
    %mul3A_623 = vector.broadcast %mul3A_622 : i32 to vector<16xi32>
    %mul3A_624 = arith.muli %min3A_609, %mul3A_623 : vector<16xi32>
    %add3A_625 = arith.addi %mul3A_621, %mul3A_624 : vector<16xi32>
    %add3A_626 = arith.addi %add3A_625, %min3A_618 : vector<16xi32>
    %swap3A_627 = arith.constant 1 : i32
    %swap3A_628 = arith.index_cast %swap3A_627 : i32 to index
    %swap3A_629 = arith.constant 96 : index
    %swap3A_630 = tpu.vector_load %arg10[%swap3A_628, %swap3A_629] {strides = array<i32>} : memref<4x128xi32, #tpu.memory_space<vmem>>, vector<1x16xi32>,
    %swap3A_631 = vector.shape_cast %swap3A_630 : vector<1x16xi32> to vector<16xi32>
    %swap3A_632 = vector.shape_cast %add3A_626 : vector<16xi32> to vector<1x16xi32>
    tpu.vector_store %arg10[%swap3A_628, %swap3A_629], %swap3A_632 {strides = array<i32>} : memref<4x128xi32, #tpu.memory_space<vmem>>, vector<1x16xi32>,
    %get3A_633 = arith.constant 240 : index
    %get3A_634 = tpu.vector_load %arg7[%get3A_633] {strides = array<i32>} : memref<512xi32, #tpu.memory_space<vmem>>, vector<16xi32>,
    %get3A_635 = vector.shape_cast %get3A_634 : vector<16xi32> to vector<16xi32>
    %jit3A_636 = arith.constant 0 : i32
    %jit3A_637 = arith.constant 7 : i32
    %max3A_638 = vector.broadcast %jit3A_636 : i32 to vector<16xi32>
    %max3A_639 = arith.maxsi %max3A_638, %get3A_635 : vector<16xi32>
    %min3A_640 = vector.broadcast %jit3A_637 : i32 to vector<16xi32>
    %min3A_641 = arith.minsi %min3A_640, %max3A_639 : vector<16xi32>
    %get3A_642 = arith.constant 240 : index
    %get3A_643 = tpu.vector_load %arg8[%get3A_642] {strides = array<i32>} : memref<512xi32, #tpu.memory_space<vmem>>, vector<16xi32>,
    %get3A_644 = vector.shape_cast %get3A_643 : vector<16xi32> to vector<16xi32>
    %jit3A_645 = arith.constant 0 : i32
    %jit3A_646 = arith.constant 7 : i32
    %max3A_647 = vector.broadcast %jit3A_645 : i32 to vector<16xi32>
    %max3A_648 = arith.maxsi %max3A_647, %get3A_644 : vector<16xi32>
    %min3A_649 = vector.broadcast %jit3A_646 : i32 to vector<16xi32>
    %min3A_650 = arith.minsi %min3A_649, %max3A_648 : vector<16xi32>
    %get3A_651 = arith.constant 240 : index
    %get3A_652 = tpu.vector_load %arg9[%get3A_651] {strides = array<i32>} : memref<512xi32, #tpu.memory_space<vmem>>, vector<16xi32>,
    %get3A_653 = vector.shape_cast %get3A_652 : vector<16xi32> to vector<16xi32>
    %jit3A_654 = arith.constant 0 : i32
    %jit3A_655 = arith.constant 7 : i32
    %max3A_656 = vector.broadcast %jit3A_654 : i32 to vector<16xi32>
    %max3A_657 = arith.maxsi %max3A_656, %get3A_653 : vector<16xi32>
    %min3A_658 = vector.broadcast %jit3A_655 : i32 to vector<16xi32>
    %min3A_659 = arith.minsi %min3A_658, %max3A_657 : vector<16xi32>
    %mul3A_660 = arith.constant 64 : i32
    %mul3A_661 = vector.broadcast %mul3A_660 : i32 to vector<16xi32>
    %mul3A_662 = arith.muli %min3A_641, %mul3A_661 : vector<16xi32>
    %mul3A_663 = arith.constant 8 : i32
    %mul3A_664 = vector.broadcast %mul3A_663 : i32 to vector<16xi32>
    %mul3A_665 = arith.muli %min3A_650, %mul3A_664 : vector<16xi32>
    %add3A_666 = arith.addi %mul3A_662, %mul3A_665 : vector<16xi32>
    %add3A_667 = arith.addi %add3A_666, %min3A_659 : vector<16xi32>
    %swap3A_668 = arith.constant 1 : i32
    %swap3A_669 = arith.index_cast %swap3A_668 : i32 to index
    %swap3A_670 = arith.constant 112 : index
    %swap3A_671 = tpu.vector_load %arg10[%swap3A_669, %swap3A_670] {strides = array<i32>} : memref<4x128xi32, #tpu.memory_space<vmem>>, vector<1x16xi32>,
    %swap3A_672 = vector.shape_cast %swap3A_671 : vector<1x16xi32> to vector<16xi32>
    %swap3A_673 = vector.shape_cast %add3A_667 : vector<16xi32> to vector<1x16xi32>
    tpu.vector_store %arg10[%swap3A_669, %swap3A_670], %swap3A_673 {strides = array<i32>} : memref<4x128xi32, #tpu.memory_space<vmem>>, vector<1x16xi32>,
    %dma_start3A_674 = arith.constant 1 : i32
    %dma_start3A_675 = arith.constant 128 : i32
    %dma_start3A_676 = arith.constant 0 : i32
    %dma_start3A_677 = tpu.memref_slice %arg11[%dma_start3A_675, %dma_start3A_676] : memref<512x128xf32, #tpu.memory_space<vmem>> -> memref<128x128xf32, #tpu.memory_space<vmem>>
    %dma_start3A_678 = arith.constant 0 : i32
    %dma_start3A_679 = tpu.memref_slice %arg10[%dma_start3A_674, %dma_start3A_678] : memref<4x128xi32, #tpu.memory_space<vmem>> -> memref<1x128xi32, #tpu.memory_space<vmem>>
    %dma_start3A_680 = tpu.memref_squeeze %dma_start3A_679 : memref<1x128xi32, #tpu.memory_space<vmem>> -> memref<128xi32, #tpu.memory_space<vmem>>
    %dma_start3A_681 = arith.constant 0 : i32
    %dma_start3A_682 = arith.constant 0 : i32
    %dma_start3A_683 = tpu.memref_slice %arg2[%dma_start3A_681, %dma_start3A_682] : memref<512x128xf32, #tpu.memory_space<hbm>> -> memref<512x128xf32, #tpu.memory_space<hbm>>
    tpu.enqueue_indirect_dma source(%dma_start3A_683 : memref<512x128xf32, #tpu.memory_space<hbm>>) target(%dma_start3A_677 : memref<128x128xf32, #tpu.memory_space<vmem>>) offsets(%dma_start3A_680 : memref<128xi32, #tpu.memory_space<vmem>>) semaphore(%arg13 : memref<!tpu.dma_semaphore, #tpu.memory_space<semaphore_mem>>)
    %get3A_684 = arith.constant 256 : index
    %get3A_685 = tpu.vector_load %arg7[%get3A_684] {strides = array<i32>} : memref<512xi32, #tpu.memory_space<vmem>>, vector<16xi32>,
    %get3A_686 = vector.shape_cast %get3A_685 : vector<16xi32> to vector<16xi32>
    %jit3A_687 = arith.constant 0 : i32
    %jit3A_688 = arith.constant 7 : i32
    %max3A_689 = vector.broadcast %jit3A_687 : i32 to vector<16xi32>
    %max3A_690 = arith.maxsi %max3A_689, %get3A_686 : vector<16xi32>
    %min3A_691 = vector.broadcast %jit3A_688 : i32 to vector<16xi32>
    %min3A_692 = arith.minsi %min3A_691, %max3A_690 : vector<16xi32>
    %get3A_693 = arith.constant 256 : index
    %get3A_694 = tpu.vector_load %arg8[%get3A_693] {strides = array<i32>} : memref<512xi32, #tpu.memory_space<vmem>>, vector<16xi32>,
    %get3A_695 = vector.shape_cast %get3A_694 : vector<16xi32> to vector<16xi32>
    %jit3A_696 = arith.constant 0 : i32
    %jit3A_697 = arith.constant 7 : i32
    %max3A_698 = vector.broadcast %jit3A_696 : i32 to vector<16xi32>
    %max3A_699 = arith.maxsi %max3A_698, %get3A_695 : vector<16xi32>
    %min3A_700 = vector.broadcast %jit3A_697 : i32 to vector<16xi32>
    %min3A_701 = arith.minsi %min3A_700, %max3A_699 : vector<16xi32>
    %get3A_702 = arith.constant 256 : index
    %get3A_703 = tpu.vector_load %arg9[%get3A_702] {strides = array<i32>} : memref<512xi32, #tpu.memory_space<vmem>>, vector<16xi32>,
    %get3A_704 = vector.shape_cast %get3A_703 : vector<16xi32> to vector<16xi32>
    %jit3A_705 = arith.constant 0 : i32
    %jit3A_706 = arith.constant 7 : i32
    %max3A_707 = vector.broadcast %jit3A_705 : i32 to vector<16xi32>
    %max3A_708 = arith.maxsi %max3A_707, %get3A_704 : vector<16xi32>
    %min3A_709 = vector.broadcast %jit3A_706 : i32 to vector<16xi32>
    %min3A_710 = arith.minsi %min3A_709, %max3A_708 : vector<16xi32>
    %mul3A_711 = arith.constant 64 : i32
    %mul3A_712 = vector.broadcast %mul3A_711 : i32 to vector<16xi32>
    %mul3A_713 = arith.muli %min3A_692, %mul3A_712 : vector<16xi32>
    %mul3A_714 = arith.constant 8 : i32
    %mul3A_715 = vector.broadcast %mul3A_714 : i32 to vector<16xi32>
    %mul3A_716 = arith.muli %min3A_701, %mul3A_715 : vector<16xi32>
    %add3A_717 = arith.addi %mul3A_713, %mul3A_716 : vector<16xi32>
    %add3A_718 = arith.addi %add3A_717, %min3A_710 : vector<16xi32>
    %swap3A_719 = arith.constant 2 : i32
    %swap3A_720 = arith.index_cast %swap3A_719 : i32 to index
    %swap3A_721 = arith.constant 0 : index
    %swap3A_722 = tpu.vector_load %arg10[%swap3A_720, %swap3A_721] {strides = array<i32>} : memref<4x128xi32, #tpu.memory_space<vmem>>, vector<1x16xi32>,
    %swap3A_723 = vector.shape_cast %swap3A_722 : vector<1x16xi32> to vector<16xi32>
    %swap3A_724 = vector.shape_cast %add3A_718 : vector<16xi32> to vector<1x16xi32>
    tpu.vector_store %arg10[%swap3A_720, %swap3A_721], %swap3A_724 {strides = array<i32>} : memref<4x128xi32, #tpu.memory_space<vmem>>, vector<1x16xi32>,
    %get3A_725 = arith.constant 272 : index
    %get3A_726 = tpu.vector_load %arg7[%get3A_725] {strides = array<i32>} : memref<512xi32, #tpu.memory_space<vmem>>, vector<16xi32>,
    %get3A_727 = vector.shape_cast %get3A_726 : vector<16xi32> to vector<16xi32>
    %jit3A_728 = arith.constant 0 : i32
    %jit3A_729 = arith.constant 7 : i32
    %max3A_730 = vector.broadcast %jit3A_728 : i32 to vector<16xi32>
    %max3A_731 = arith.maxsi %max3A_730, %get3A_727 : vector<16xi32>
    %min3A_732 = vector.broadcast %jit3A_729 : i32 to vector<16xi32>
    %min3A_733 = arith.minsi %min3A_732, %max3A_731 : vector<16xi32>
    %get3A_734 = arith.constant 272 : index
    %get3A_735 = tpu.vector_load %arg8[%get3A_734] {strides = array<i32>} : memref<512xi32, #tpu.memory_space<vmem>>, vector<16xi32>,
    %get3A_736 = vector.shape_cast %get3A_735 : vector<16xi32> to vector<16xi32>
    %jit3A_737 = arith.constant 0 : i32
    %jit3A_738 = arith.constant 7 : i32
    %max3A_739 = vector.broadcast %jit3A_737 : i32 to vector<16xi32>
    %max3A_740 = arith.maxsi %max3A_739, %get3A_736 : vector<16xi32>
    %min3A_741 = vector.broadcast %jit3A_738 : i32 to vector<16xi32>
    %min3A_742 = arith.minsi %min3A_741, %max3A_740 : vector<16xi32>
    %get3A_743 = arith.constant 272 : index
    %get3A_744 = tpu.vector_load %arg9[%get3A_743] {strides = array<i32>} : memref<512xi32, #tpu.memory_space<vmem>>, vector<16xi32>,
    %get3A_745 = vector.shape_cast %get3A_744 : vector<16xi32> to vector<16xi32>
    %jit3A_746 = arith.constant 0 : i32
    %jit3A_747 = arith.constant 7 : i32
    %max3A_748 = vector.broadcast %jit3A_746 : i32 to vector<16xi32>
    %max3A_749 = arith.maxsi %max3A_748, %get3A_745 : vector<16xi32>
    %min3A_750 = vector.broadcast %jit3A_747 : i32 to vector<16xi32>
    %min3A_751 = arith.minsi %min3A_750, %max3A_749 : vector<16xi32>
    %mul3A_752 = arith.constant 64 : i32
    %mul3A_753 = vector.broadcast %mul3A_752 : i32 to vector<16xi32>
    %mul3A_754 = arith.muli %min3A_733, %mul3A_753 : vector<16xi32>
    %mul3A_755 = arith.constant 8 : i32
    %mul3A_756 = vector.broadcast %mul3A_755 : i32 to vector<16xi32>
    %mul3A_757 = arith.muli %min3A_742, %mul3A_756 : vector<16xi32>
    %add3A_758 = arith.addi %mul3A_754, %mul3A_757 : vector<16xi32>
    %add3A_759 = arith.addi %add3A_758, %min3A_751 : vector<16xi32>
    %swap3A_760 = arith.constant 2 : i32
    %swap3A_761 = arith.index_cast %swap3A_760 : i32 to index
    %swap3A_762 = arith.constant 16 : index
    %swap3A_763 = tpu.vector_load %arg10[%swap3A_761, %swap3A_762] {strides = array<i32>} : memref<4x128xi32, #tpu.memory_space<vmem>>, vector<1x16xi32>,
    %swap3A_764 = vector.shape_cast %swap3A_763 : vector<1x16xi32> to vector<16xi32>
    %swap3A_765 = vector.shape_cast %add3A_759 : vector<16xi32> to vector<1x16xi32>
    tpu.vector_store %arg10[%swap3A_761, %swap3A_762], %swap3A_765 {strides = array<i32>} : memref<4x128xi32, #tpu.memory_space<vmem>>, vector<1x16xi32>,
    %get3A_766 = arith.constant 288 : index
    %get3A_767 = tpu.vector_load %arg7[%get3A_766] {strides = array<i32>} : memref<512xi32, #tpu.memory_space<vmem>>, vector<16xi32>,
    %get3A_768 = vector.shape_cast %get3A_767 : vector<16xi32> to vector<16xi32>
    %jit3A_769 = arith.constant 0 : i32
    %jit3A_770 = arith.constant 7 : i32
    %max3A_771 = vector.broadcast %jit3A_769 : i32 to vector<16xi32>
    %max3A_772 = arith.maxsi %max3A_771, %get3A_768 : vector<16xi32>
    %min3A_773 = vector.broadcast %jit3A_770 : i32 to vector<16xi32>
    %min3A_774 = arith.minsi %min3A_773, %max3A_772 : vector<16xi32>
    %get3A_775 = arith.constant 288 : index
    %get3A_776 = tpu.vector_load %arg8[%get3A_775] {strides = array<i32>} : memref<512xi32, #tpu.memory_space<vmem>>, vector<16xi32>,
    %get3A_777 = vector.shape_cast %get3A_776 : vector<16xi32> to vector<16xi32>
    %jit3A_778 = arith.constant 0 : i32
    %jit3A_779 = arith.constant 7 : i32
    %max3A_780 = vector.broadcast %jit3A_778 : i32 to vector<16xi32>
    %max3A_781 = arith.maxsi %max3A_780, %get3A_777 : vector<16xi32>
    %min3A_782 = vector.broadcast %jit3A_779 : i32 to vector<16xi32>
    %min3A_783 = arith.minsi %min3A_782, %max3A_781 : vector<16xi32>
    %get3A_784 = arith.constant 288 : index
    %get3A_785 = tpu.vector_load %arg9[%get3A_784] {strides = array<i32>} : memref<512xi32, #tpu.memory_space<vmem>>, vector<16xi32>,
    %get3A_786 = vector.shape_cast %get3A_785 : vector<16xi32> to vector<16xi32>
    %jit3A_787 = arith.constant 0 : i32
    %jit3A_788 = arith.constant 7 : i32
    %max3A_789 = vector.broadcast %jit3A_787 : i32 to vector<16xi32>
    %max3A_790 = arith.maxsi %max3A_789, %get3A_786 : vector<16xi32>
    %min3A_791 = vector.broadcast %jit3A_788 : i32 to vector<16xi32>
    %min3A_792 = arith.minsi %min3A_791, %max3A_790 : vector<16xi32>
    %mul3A_793 = arith.constant 64 : i32
    %mul3A_794 = vector.broadcast %mul3A_793 : i32 to vector<16xi32>
    %mul3A_795 = arith.muli %min3A_774, %mul3A_794 : vector<16xi32>
    %mul3A_796 = arith.constant 8 : i32
    %mul3A_797 = vector.broadcast %mul3A_796 : i32 to vector<16xi32>
    %mul3A_798 = arith.muli %min3A_783, %mul3A_797 : vector<16xi32>
    %add3A_799 = arith.addi %mul3A_795, %mul3A_798 : vector<16xi32>
    %add3A_800 = arith.addi %add3A_799, %min3A_792 : vector<16xi32>
    %swap3A_801 = arith.constant 2 : i32
    %swap3A_802 = arith.index_cast %swap3A_801 : i32 to index
    %swap3A_803 = arith.constant 32 : index
    %swap3A_804 = tpu.vector_load %arg10[%swap3A_802, %swap3A_803] {strides = array<i32>} : memref<4x128xi32, #tpu.memory_space<vmem>>, vector<1x16xi32>,
    %swap3A_805 = vector.shape_cast %swap3A_804 : vector<1x16xi32> to vector<16xi32>
    %swap3A_806 = vector.shape_cast %add3A_800 : vector<16xi32> to vector<1x16xi32>
    tpu.vector_store %arg10[%swap3A_802, %swap3A_803], %swap3A_806 {strides = array<i32>} : memref<4x128xi32, #tpu.memory_space<vmem>>, vector<1x16xi32>,
    %get3A_807 = arith.constant 304 : index
    %get3A_808 = tpu.vector_load %arg7[%get3A_807] {strides = array<i32>} : memref<512xi32, #tpu.memory_space<vmem>>, vector<16xi32>,
    %get3A_809 = vector.shape_cast %get3A_808 : vector<16xi32> to vector<16xi32>
    %jit3A_810 = arith.constant 0 : i32
    %jit3A_811 = arith.constant 7 : i32
    %max3A_812 = vector.broadcast %jit3A_810 : i32 to vector<16xi32>
    %max3A_813 = arith.maxsi %max3A_812, %get3A_809 : vector<16xi32>
    %min3A_814 = vector.broadcast %jit3A_811 : i32 to vector<16xi32>
    %min3A_815 = arith.minsi %min3A_814, %max3A_813 : vector<16xi32>
    %get3A_816 = arith.constant 304 : index
    %get3A_817 = tpu.vector_load %arg8[%get3A_816] {strides = array<i32>} : memref<512xi32, #tpu.memory_space<vmem>>, vector<16xi32>,
    %get3A_818 = vector.shape_cast %get3A_817 : vector<16xi32> to vector<16xi32>
    %jit3A_819 = arith.constant 0 : i32
    %jit3A_820 = arith.constant 7 : i32
    %max3A_821 = vector.broadcast %jit3A_819 : i32 to vector<16xi32>
    %max3A_822 = arith.maxsi %max3A_821, %get3A_818 : vector<16xi32>
    %min3A_823 = vector.broadcast %jit3A_820 : i32 to vector<16xi32>
    %min3A_824 = arith.minsi %min3A_823, %max3A_822 : vector<16xi32>
    %get3A_825 = arith.constant 304 : index
    %get3A_826 = tpu.vector_load %arg9[%get3A_825] {strides = array<i32>} : memref<512xi32, #tpu.memory_space<vmem>>, vector<16xi32>,
    %get3A_827 = vector.shape_cast %get3A_826 : vector<16xi32> to vector<16xi32>
    %jit3A_828 = arith.constant 0 : i32
    %jit3A_829 = arith.constant 7 : i32
    %max3A_830 = vector.broadcast %jit3A_828 : i32 to vector<16xi32>
    %max3A_831 = arith.maxsi %max3A_830, %get3A_827 : vector<16xi32>
    %min3A_832 = vector.broadcast %jit3A_829 : i32 to vector<16xi32>
    %min3A_833 = arith.minsi %min3A_832, %max3A_831 : vector<16xi32>
    %mul3A_834 = arith.constant 64 : i32
    %mul3A_835 = vector.broadcast %mul3A_834 : i32 to vector<16xi32>
    %mul3A_836 = arith.muli %min3A_815, %mul3A_835 : vector<16xi32>
    %mul3A_837 = arith.constant 8 : i32
    %mul3A_838 = vector.broadcast %mul3A_837 : i32 to vector<16xi32>
    %mul3A_839 = arith.muli %min3A_824, %mul3A_838 : vector<16xi32>
    %add3A_840 = arith.addi %mul3A_836, %mul3A_839 : vector<16xi32>
    %add3A_841 = arith.addi %add3A_840, %min3A_833 : vector<16xi32>
    %swap3A_842 = arith.constant 2 : i32
    %swap3A_843 = arith.index_cast %swap3A_842 : i32 to index
    %swap3A_844 = arith.constant 48 : index
    %swap3A_845 = tpu.vector_load %arg10[%swap3A_843, %swap3A_844] {strides = array<i32>} : memref<4x128xi32, #tpu.memory_space<vmem>>, vector<1x16xi32>,
    %swap3A_846 = vector.shape_cast %swap3A_845 : vector<1x16xi32> to vector<16xi32>
    %swap3A_847 = vector.shape_cast %add3A_841 : vector<16xi32> to vector<1x16xi32>
    tpu.vector_store %arg10[%swap3A_843, %swap3A_844], %swap3A_847 {strides = array<i32>} : memref<4x128xi32, #tpu.memory_space<vmem>>, vector<1x16xi32>,
    %get3A_848 = arith.constant 320 : index
    %get3A_849 = tpu.vector_load %arg7[%get3A_848] {strides = array<i32>} : memref<512xi32, #tpu.memory_space<vmem>>, vector<16xi32>,
    %get3A_850 = vector.shape_cast %get3A_849 : vector<16xi32> to vector<16xi32>
    %jit3A_851 = arith.constant 0 : i32
    %jit3A_852 = arith.constant 7 : i32
    %max3A_853 = vector.broadcast %jit3A_851 : i32 to vector<16xi32>
    %max3A_854 = arith.maxsi %max3A_853, %get3A_850 : vector<16xi32>
    %min3A_855 = vector.broadcast %jit3A_852 : i32 to vector<16xi32>
    %min3A_856 = arith.minsi %min3A_855, %max3A_854 : vector<16xi32>
    %get3A_857 = arith.constant 320 : index
    %get3A_858 = tpu.vector_load %arg8[%get3A_857] {strides = array<i32>} : memref<512xi32, #tpu.memory_space<vmem>>, vector<16xi32>,
    %get3A_859 = vector.shape_cast %get3A_858 : vector<16xi32> to vector<16xi32>
    %jit3A_860 = arith.constant 0 : i32
    %jit3A_861 = arith.constant 7 : i32
    %max3A_862 = vector.broadcast %jit3A_860 : i32 to vector<16xi32>
    %max3A_863 = arith.maxsi %max3A_862, %get3A_859 : vector<16xi32>
    %min3A_864 = vector.broadcast %jit3A_861 : i32 to vector<16xi32>
    %min3A_865 = arith.minsi %min3A_864, %max3A_863 : vector<16xi32>
    %get3A_866 = arith.constant 320 : index
    %get3A_867 = tpu.vector_load %arg9[%get3A_866] {strides = array<i32>} : memref<512xi32, #tpu.memory_space<vmem>>, vector<16xi32>,
    %get3A_868 = vector.shape_cast %get3A_867 : vector<16xi32> to vector<16xi32>
    %jit3A_869 = arith.constant 0 : i32
    %jit3A_870 = arith.constant 7 : i32
    %max3A_871 = vector.broadcast %jit3A_869 : i32 to vector<16xi32>
    %max3A_872 = arith.maxsi %max3A_871, %get3A_868 : vector<16xi32>
    %min3A_873 = vector.broadcast %jit3A_870 : i32 to vector<16xi32>
    %min3A_874 = arith.minsi %min3A_873, %max3A_872 : vector<16xi32>
    %mul3A_875 = arith.constant 64 : i32
    %mul3A_876 = vector.broadcast %mul3A_875 : i32 to vector<16xi32>
    %mul3A_877 = arith.muli %min3A_856, %mul3A_876 : vector<16xi32>
    %mul3A_878 = arith.constant 8 : i32
    %mul3A_879 = vector.broadcast %mul3A_878 : i32 to vector<16xi32>
    %mul3A_880 = arith.muli %min3A_865, %mul3A_879 : vector<16xi32>
    %add3A_881 = arith.addi %mul3A_877, %mul3A_880 : vector<16xi32>
    %add3A_882 = arith.addi %add3A_881, %min3A_874 : vector<16xi32>
    %swap3A_883 = arith.constant 2 : i32
    %swap3A_884 = arith.index_cast %swap3A_883 : i32 to index
    %swap3A_885 = arith.constant 64 : index
    %swap3A_886 = tpu.vector_load %arg10[%swap3A_884, %swap3A_885] {strides = array<i32>} : memref<4x128xi32, #tpu.memory_space<vmem>>, vector<1x16xi32>,
    %swap3A_887 = vector.shape_cast %swap3A_886 : vector<1x16xi32> to vector<16xi32>
    %swap3A_888 = vector.shape_cast %add3A_882 : vector<16xi32> to vector<1x16xi32>
    tpu.vector_store %arg10[%swap3A_884, %swap3A_885], %swap3A_888 {strides = array<i32>} : memref<4x128xi32, #tpu.memory_space<vmem>>, vector<1x16xi32>,
    %get3A_889 = arith.constant 336 : index
    %get3A_890 = tpu.vector_load %arg7[%get3A_889] {strides = array<i32>} : memref<512xi32, #tpu.memory_space<vmem>>, vector<16xi32>,
    %get3A_891 = vector.shape_cast %get3A_890 : vector<16xi32> to vector<16xi32>
    %jit3A_892 = arith.constant 0 : i32
    %jit3A_893 = arith.constant 7 : i32
    %max3A_894 = vector.broadcast %jit3A_892 : i32 to vector<16xi32>
    %max3A_895 = arith.maxsi %max3A_894, %get3A_891 : vector<16xi32>
    %min3A_896 = vector.broadcast %jit3A_893 : i32 to vector<16xi32>
    %min3A_897 = arith.minsi %min3A_896, %max3A_895 : vector<16xi32>
    %get3A_898 = arith.constant 336 : index
    %get3A_899 = tpu.vector_load %arg8[%get3A_898] {strides = array<i32>} : memref<512xi32, #tpu.memory_space<vmem>>, vector<16xi32>,
    %get3A_900 = vector.shape_cast %get3A_899 : vector<16xi32> to vector<16xi32>
    %jit3A_901 = arith.constant 0 : i32
    %jit3A_902 = arith.constant 7 : i32
    %max3A_903 = vector.broadcast %jit3A_901 : i32 to vector<16xi32>
    %max3A_904 = arith.maxsi %max3A_903, %get3A_900 : vector<16xi32>
    %min3A_905 = vector.broadcast %jit3A_902 : i32 to vector<16xi32>
    %min3A_906 = arith.minsi %min3A_905, %max3A_904 : vector<16xi32>
    %get3A_907 = arith.constant 336 : index
    %get3A_908 = tpu.vector_load %arg9[%get3A_907] {strides = array<i32>} : memref<512xi32, #tpu.memory_space<vmem>>, vector<16xi32>,
    %get3A_909 = vector.shape_cast %get3A_908 : vector<16xi32> to vector<16xi32>
    %jit3A_910 = arith.constant 0 : i32
    %jit3A_911 = arith.constant 7 : i32
    %max3A_912 = vector.broadcast %jit3A_910 : i32 to vector<16xi32>
    %max3A_913 = arith.maxsi %max3A_912, %get3A_909 : vector<16xi32>
    %min3A_914 = vector.broadcast %jit3A_911 : i32 to vector<16xi32>
    %min3A_915 = arith.minsi %min3A_914, %max3A_913 : vector<16xi32>
    %mul3A_916 = arith.constant 64 : i32
    %mul3A_917 = vector.broadcast %mul3A_916 : i32 to vector<16xi32>
    %mul3A_918 = arith.muli %min3A_897, %mul3A_917 : vector<16xi32>
    %mul3A_919 = arith.constant 8 : i32
    %mul3A_920 = vector.broadcast %mul3A_919 : i32 to vector<16xi32>
    %mul3A_921 = arith.muli %min3A_906, %mul3A_920 : vector<16xi32>
    %add3A_922 = arith.addi %mul3A_918, %mul3A_921 : vector<16xi32>
    %add3A_923 = arith.addi %add3A_922, %min3A_915 : vector<16xi32>
    %swap3A_924 = arith.constant 2 : i32
    %swap3A_925 = arith.index_cast %swap3A_924 : i32 to index
    %swap3A_926 = arith.constant 80 : index
    %swap3A_927 = tpu.vector_load %arg10[%swap3A_925, %swap3A_926] {strides = array<i32>} : memref<4x128xi32, #tpu.memory_space<vmem>>, vector<1x16xi32>,
    %swap3A_928 = vector.shape_cast %swap3A_927 : vector<1x16xi32> to vector<16xi32>
    %swap3A_929 = vector.shape_cast %add3A_923 : vector<16xi32> to vector<1x16xi32>
    tpu.vector_store %arg10[%swap3A_925, %swap3A_926], %swap3A_929 {strides = array<i32>} : memref<4x128xi32, #tpu.memory_space<vmem>>, vector<1x16xi32>,
    %get3A_930 = arith.constant 352 : index
    %get3A_931 = tpu.vector_load %arg7[%get3A_930] {strides = array<i32>} : memref<512xi32, #tpu.memory_space<vmem>>, vector<16xi32>,
    %get3A_932 = vector.shape_cast %get3A_931 : vector<16xi32> to vector<16xi32>
    %jit3A_933 = arith.constant 0 : i32
    %jit3A_934 = arith.constant 7 : i32
    %max3A_935 = vector.broadcast %jit3A_933 : i32 to vector<16xi32>
    %max3A_936 = arith.maxsi %max3A_935, %get3A_932 : vector<16xi32>
    %min3A_937 = vector.broadcast %jit3A_934 : i32 to vector<16xi32>
    %min3A_938 = arith.minsi %min3A_937, %max3A_936 : vector<16xi32>
    %get3A_939 = arith.constant 352 : index
    %get3A_940 = tpu.vector_load %arg8[%get3A_939] {strides = array<i32>} : memref<512xi32, #tpu.memory_space<vmem>>, vector<16xi32>,
    %get3A_941 = vector.shape_cast %get3A_940 : vector<16xi32> to vector<16xi32>
    %jit3A_942 = arith.constant 0 : i32
    %jit3A_943 = arith.constant 7 : i32
    %max3A_944 = vector.broadcast %jit3A_942 : i32 to vector<16xi32>
    %max3A_945 = arith.maxsi %max3A_944, %get3A_941 : vector<16xi32>
    %min3A_946 = vector.broadcast %jit3A_943 : i32 to vector<16xi32>
    %min3A_947 = arith.minsi %min3A_946, %max3A_945 : vector<16xi32>
    %get3A_948 = arith.constant 352 : index
    %get3A_949 = tpu.vector_load %arg9[%get3A_948] {strides = array<i32>} : memref<512xi32, #tpu.memory_space<vmem>>, vector<16xi32>,
    %get3A_950 = vector.shape_cast %get3A_949 : vector<16xi32> to vector<16xi32>
    %jit3A_951 = arith.constant 0 : i32
    %jit3A_952 = arith.constant 7 : i32
    %max3A_953 = vector.broadcast %jit3A_951 : i32 to vector<16xi32>
    %max3A_954 = arith.maxsi %max3A_953, %get3A_950 : vector<16xi32>
    %min3A_955 = vector.broadcast %jit3A_952 : i32 to vector<16xi32>
    %min3A_956 = arith.minsi %min3A_955, %max3A_954 : vector<16xi32>
    %mul3A_957 = arith.constant 64 : i32
    %mul3A_958 = vector.broadcast %mul3A_957 : i32 to vector<16xi32>
    %mul3A_959 = arith.muli %min3A_938, %mul3A_958 : vector<16xi32>
    %mul3A_960 = arith.constant 8 : i32
    %mul3A_961 = vector.broadcast %mul3A_960 : i32 to vector<16xi32>
    %mul3A_962 = arith.muli %min3A_947, %mul3A_961 : vector<16xi32>
    %add3A_963 = arith.addi %mul3A_959, %mul3A_962 : vector<16xi32>
    %add3A_964 = arith.addi %add3A_963, %min3A_956 : vector<16xi32>
    %swap3A_965 = arith.constant 2 : i32
    %swap3A_966 = arith.index_cast %swap3A_965 : i32 to index
    %swap3A_967 = arith.constant 96 : index
    %swap3A_968 = tpu.vector_load %arg10[%swap3A_966, %swap3A_967] {strides = array<i32>} : memref<4x128xi32, #tpu.memory_space<vmem>>, vector<1x16xi32>,
    %swap3A_969 = vector.shape_cast %swap3A_968 : vector<1x16xi32> to vector<16xi32>
    %swap3A_970 = vector.shape_cast %add3A_964 : vector<16xi32> to vector<1x16xi32>
    tpu.vector_store %arg10[%swap3A_966, %swap3A_967], %swap3A_970 {strides = array<i32>} : memref<4x128xi32, #tpu.memory_space<vmem>>, vector<1x16xi32>,
    %get3A_971 = arith.constant 368 : index
    %get3A_972 = tpu.vector_load %arg7[%get3A_971] {strides = array<i32>} : memref<512xi32, #tpu.memory_space<vmem>>, vector<16xi32>,
    %get3A_973 = vector.shape_cast %get3A_972 : vector<16xi32> to vector<16xi32>
    %jit3A_974 = arith.constant 0 : i32
    %jit3A_975 = arith.constant 7 : i32
    %max3A_976 = vector.broadcast %jit3A_974 : i32 to vector<16xi32>
    %max3A_977 = arith.maxsi %max3A_976, %get3A_973 : vector<16xi32>
    %min3A_978 = vector.broadcast %jit3A_975 : i32 to vector<16xi32>
    %min3A_979 = arith.minsi %min3A_978, %max3A_977 : vector<16xi32>
    %get3A_980 = arith.constant 368 : index
    %get3A_981 = tpu.vector_load %arg8[%get3A_980] {strides = array<i32>} : memref<512xi32, #tpu.memory_space<vmem>>, vector<16xi32>,
    %get3A_982 = vector.shape_cast %get3A_981 : vector<16xi32> to vector<16xi32>
    %jit3A_983 = arith.constant 0 : i32
    %jit3A_984 = arith.constant 7 : i32
    %max3A_985 = vector.broadcast %jit3A_983 : i32 to vector<16xi32>
    %max3A_986 = arith.maxsi %max3A_985, %get3A_982 : vector<16xi32>
    %min3A_987 = vector.broadcast %jit3A_984 : i32 to vector<16xi32>
    %min3A_988 = arith.minsi %min3A_987, %max3A_986 : vector<16xi32>
    %get3A_989 = arith.constant 368 : index
    %get3A_990 = tpu.vector_load %arg9[%get3A_989] {strides = array<i32>} : memref<512xi32, #tpu.memory_space<vmem>>, vector<16xi32>,
    %get3A_991 = vector.shape_cast %get3A_990 : vector<16xi32> to vector<16xi32>
    %jit3A_992 = arith.constant 0 : i32
    %jit3A_993 = arith.constant 7 : i32
    %max3A_994 = vector.broadcast %jit3A_992 : i32 to vector<16xi32>
    %max3A_995 = arith.maxsi %max3A_994, %get3A_991 : vector<16xi32>
    %min3A_996 = vector.broadcast %jit3A_993 : i32 to vector<16xi32>
    %min3A_997 = arith.minsi %min3A_996, %max3A_995 : vector<16xi32>
    %mul3A_998 = arith.constant 64 : i32
    %mul3A_999 = vector.broadcast %mul3A_998 : i32 to vector<16xi32>
    %mul3A_1000 = arith.muli %min3A_979, %mul3A_999 : vector<16xi32>
    %mul3A_1001 = arith.constant 8 : i32
    %mul3A_1002 = vector.broadcast %mul3A_1001 : i32 to vector<16xi32>
    %mul3A_1003 = arith.muli %min3A_988, %mul3A_1002 : vector<16xi32>
    %add3A_1004 = arith.addi %mul3A_1000, %mul3A_1003 : vector<16xi32>
    %add3A_1005 = arith.addi %add3A_1004, %min3A_997 : vector<16xi32>
    %swap3A_1006 = arith.constant 2 : i32
    %swap3A_1007 = arith.index_cast %swap3A_1006 : i32 to index
    %swap3A_1008 = arith.constant 112 : index
    %swap3A_1009 = tpu.vector_load %arg10[%swap3A_1007, %swap3A_1008] {strides = array<i32>} : memref<4x128xi32, #tpu.memory_space<vmem>>, vector<1x16xi32>,
    %swap3A_1010 = vector.shape_cast %swap3A_1009 : vector<1x16xi32> to vector<16xi32>
    %swap3A_1011 = vector.shape_cast %add3A_1005 : vector<16xi32> to vector<1x16xi32>
    tpu.vector_store %arg10[%swap3A_1007, %swap3A_1008], %swap3A_1011 {strides = array<i32>} : memref<4x128xi32, #tpu.memory_space<vmem>>, vector<1x16xi32>,
    %dma_start3A_1012 = arith.constant 2 : i32
    %dma_start3A_1013 = arith.constant 256 : i32
    %dma_start3A_1014 = arith.constant 0 : i32
    %dma_start3A_1015 = tpu.memref_slice %arg11[%dma_start3A_1013, %dma_start3A_1014] : memref<512x128xf32, #tpu.memory_space<vmem>> -> memref<128x128xf32, #tpu.memory_space<vmem>>
    %dma_start3A_1016 = arith.constant 0 : i32
    %dma_start3A_1017 = tpu.memref_slice %arg10[%dma_start3A_1012, %dma_start3A_1016] : memref<4x128xi32, #tpu.memory_space<vmem>> -> memref<1x128xi32, #tpu.memory_space<vmem>>
    %dma_start3A_1018 = tpu.memref_squeeze %dma_start3A_1017 : memref<1x128xi32, #tpu.memory_space<vmem>> -> memref<128xi32, #tpu.memory_space<vmem>>
    %dma_start3A_1019 = arith.constant 0 : i32
    %dma_start3A_1020 = arith.constant 0 : i32
    %dma_start3A_1021 = tpu.memref_slice %arg2[%dma_start3A_1019, %dma_start3A_1020] : memref<512x128xf32, #tpu.memory_space<hbm>> -> memref<512x128xf32, #tpu.memory_space<hbm>>
    tpu.enqueue_indirect_dma source(%dma_start3A_1021 : memref<512x128xf32, #tpu.memory_space<hbm>>) target(%dma_start3A_1015 : memref<128x128xf32, #tpu.memory_space<vmem>>) offsets(%dma_start3A_1018 : memref<128xi32, #tpu.memory_space<vmem>>) semaphore(%arg13 : memref<!tpu.dma_semaphore, #tpu.memory_space<semaphore_mem>>)
    %get3A_1022 = arith.constant 384 : index
    %get3A_1023 = tpu.vector_load %arg7[%get3A_1022] {strides = array<i32>} : memref<512xi32, #tpu.memory_space<vmem>>, vector<16xi32>,
    %get3A_1024 = vector.shape_cast %get3A_1023 : vector<16xi32> to vector<16xi32>
    %jit3A_1025 = arith.constant 0 : i32
    %jit3A_1026 = arith.constant 7 : i32
    %max3A_1027 = vector.broadcast %jit3A_1025 : i32 to vector<16xi32>
    %max3A_1028 = arith.maxsi %max3A_1027, %get3A_1024 : vector<16xi32>
    %min3A_1029 = vector.broadcast %jit3A_1026 : i32 to vector<16xi32>
    %min3A_1030 = arith.minsi %min3A_1029, %max3A_1028 : vector<16xi32>
    %get3A_1031 = arith.constant 384 : index
    %get3A_1032 = tpu.vector_load %arg8[%get3A_1031] {strides = array<i32>} : memref<512xi32, #tpu.memory_space<vmem>>, vector<16xi32>,
    %get3A_1033 = vector.shape_cast %get3A_1032 : vector<16xi32> to vector<16xi32>
    %jit3A_1034 = arith.constant 0 : i32
    %jit3A_1035 = arith.constant 7 : i32
    %max3A_1036 = vector.broadcast %jit3A_1034 : i32 to vector<16xi32>
    %max3A_1037 = arith.maxsi %max3A_1036, %get3A_1033 : vector<16xi32>
    %min3A_1038 = vector.broadcast %jit3A_1035 : i32 to vector<16xi32>
    %min3A_1039 = arith.minsi %min3A_1038, %max3A_1037 : vector<16xi32>
    %get3A_1040 = arith.constant 384 : index
    %get3A_1041 = tpu.vector_load %arg9[%get3A_1040] {strides = array<i32>} : memref<512xi32, #tpu.memory_space<vmem>>, vector<16xi32>,
    %get3A_1042 = vector.shape_cast %get3A_1041 : vector<16xi32> to vector<16xi32>
    %jit3A_1043 = arith.constant 0 : i32
    %jit3A_1044 = arith.constant 7 : i32
    %max3A_1045 = vector.broadcast %jit3A_1043 : i32 to vector<16xi32>
    %max3A_1046 = arith.maxsi %max3A_1045, %get3A_1042 : vector<16xi32>
    %min3A_1047 = vector.broadcast %jit3A_1044 : i32 to vector<16xi32>
    %min3A_1048 = arith.minsi %min3A_1047, %max3A_1046 : vector<16xi32>
    %mul3A_1049 = arith.constant 64 : i32
    %mul3A_1050 = vector.broadcast %mul3A_1049 : i32 to vector<16xi32>
    %mul3A_1051 = arith.muli %min3A_1030, %mul3A_1050 : vector<16xi32>
    %mul3A_1052 = arith.constant 8 : i32
    %mul3A_1053 = vector.broadcast %mul3A_1052 : i32 to vector<16xi32>
    %mul3A_1054 = arith.muli %min3A_1039, %mul3A_1053 : vector<16xi32>
    %add3A_1055 = arith.addi %mul3A_1051, %mul3A_1054 : vector<16xi32>
    %add3A_1056 = arith.addi %add3A_1055, %min3A_1048 : vector<16xi32>
    %swap3A_1057 = arith.constant 3 : i32
    %swap3A_1058 = arith.index_cast %swap3A_1057 : i32 to index
    %swap3A_1059 = arith.constant 0 : index
    %swap3A_1060 = tpu.vector_load %arg10[%swap3A_1058, %swap3A_1059] {strides = array<i32>} : memref<4x128xi32, #tpu.memory_space<vmem>>, vector<1x16xi32>,
    %swap3A_1061 = vector.shape_cast %swap3A_1060 : vector<1x16xi32> to vector<16xi32>
    %swap3A_1062 = vector.shape_cast %add3A_1056 : vector<16xi32> to vector<1x16xi32>
    tpu.vector_store %arg10[%swap3A_1058, %swap3A_1059], %swap3A_1062 {strides = array<i32>} : memref<4x128xi32, #tpu.memory_space<vmem>>, vector<1x16xi32>,
    %get3A_1063 = arith.constant 400 : index
    %get3A_1064 = tpu.vector_load %arg7[%get3A_1063] {strides = array<i32>} : memref<512xi32, #tpu.memory_space<vmem>>, vector<16xi32>,
    %get3A_1065 = vector.shape_cast %get3A_1064 : vector<16xi32> to vector<16xi32>
    %jit3A_1066 = arith.constant 0 : i32
    %jit3A_1067 = arith.constant 7 : i32
    %max3A_1068 = vector.broadcast %jit3A_1066 : i32 to vector<16xi32>
    %max3A_1069 = arith.maxsi %max3A_1068, %get3A_1065 : vector<16xi32>
    %min3A_1070 = vector.broadcast %jit3A_1067 : i32 to vector<16xi32>
    %min3A_1071 = arith.minsi %min3A_1070, %max3A_1069 : vector<16xi32>
    %get3A_1072 = arith.constant 400 : index
    %get3A_1073 = tpu.vector_load %arg8[%get3A_1072] {strides = array<i32>} : memref<512xi32, #tpu.memory_space<vmem>>, vector<16xi32>,
    %get3A_1074 = vector.shape_cast %get3A_1073 : vector<16xi32> to vector<16xi32>
    %jit3A_1075 = arith.constant 0 : i32
    %jit3A_1076 = arith.constant 7 : i32
    %max3A_1077 = vector.broadcast %jit3A_1075 : i32 to vector<16xi32>
    %max3A_1078 = arith.maxsi %max3A_1077, %get3A_1074 : vector<16xi32>
    %min3A_1079 = vector.broadcast %jit3A_1076 : i32 to vector<16xi32>
    %min3A_1080 = arith.minsi %min3A_1079, %max3A_1078 : vector<16xi32>
    %get3A_1081 = arith.constant 400 : index
    %get3A_1082 = tpu.vector_load %arg9[%get3A_1081] {strides = array<i32>} : memref<512xi32, #tpu.memory_space<vmem>>, vector<16xi32>,
    %get3A_1083 = vector.shape_cast %get3A_1082 : vector<16xi32> to vector<16xi32>
    %jit3A_1084 = arith.constant 0 : i32
    %jit3A_1085 = arith.constant 7 : i32
    %max3A_1086 = vector.broadcast %jit3A_1084 : i32 to vector<16xi32>
    %max3A_1087 = arith.maxsi %max3A_1086, %get3A_1083 : vector<16xi32>
    %min3A_1088 = vector.broadcast %jit3A_1085 : i32 to vector<16xi32>
    %min3A_1089 = arith.minsi %min3A_1088, %max3A_1087 : vector<16xi32>
    %mul3A_1090 = arith.constant 64 : i32
    %mul3A_1091 = vector.broadcast %mul3A_1090 : i32 to vector<16xi32>
    %mul3A_1092 = arith.muli %min3A_1071, %mul3A_1091 : vector<16xi32>
    %mul3A_1093 = arith.constant 8 : i32
    %mul3A_1094 = vector.broadcast %mul3A_1093 : i32 to vector<16xi32>
    %mul3A_1095 = arith.muli %min3A_1080, %mul3A_1094 : vector<16xi32>
    %add3A_1096 = arith.addi %mul3A_1092, %mul3A_1095 : vector<16xi32>
    %add3A_1097 = arith.addi %add3A_1096, %min3A_1089 : vector<16xi32>
    %swap3A_1098 = arith.constant 3 : i32
    %swap3A_1099 = arith.index_cast %swap3A_1098 : i32 to index
    %swap3A_1100 = arith.constant 16 : index
    %swap3A_1101 = tpu.vector_load %arg10[%swap3A_1099, %swap3A_1100] {strides = array<i32>} : memref<4x128xi32, #tpu.memory_space<vmem>>, vector<1x16xi32>,
    %swap3A_1102 = vector.shape_cast %swap3A_1101 : vector<1x16xi32> to vector<16xi32>
    %swap3A_1103 = vector.shape_cast %add3A_1097 : vector<16xi32> to vector<1x16xi32>
    tpu.vector_store %arg10[%swap3A_1099, %swap3A_1100], %swap3A_1103 {strides = array<i32>} : memref<4x128xi32, #tpu.memory_space<vmem>>, vector<1x16xi32>,
    %get3A_1104 = arith.constant 416 : index
    %get3A_1105 = tpu.vector_load %arg7[%get3A_1104] {strides = array<i32>} : memref<512xi32, #tpu.memory_space<vmem>>, vector<16xi32>,
    %get3A_1106 = vector.shape_cast %get3A_1105 : vector<16xi32> to vector<16xi32>
    %jit3A_1107 = arith.constant 0 : i32
    %jit3A_1108 = arith.constant 7 : i32
    %max3A_1109 = vector.broadcast %jit3A_1107 : i32 to vector<16xi32>
    %max3A_1110 = arith.maxsi %max3A_1109, %get3A_1106 : vector<16xi32>
    %min3A_1111 = vector.broadcast %jit3A_1108 : i32 to vector<16xi32>
    %min3A_1112 = arith.minsi %min3A_1111, %max3A_1110 : vector<16xi32>
    %get3A_1113 = arith.constant 416 : index
    %get3A_1114 = tpu.vector_load %arg8[%get3A_1113] {strides = array<i32>} : memref<512xi32, #tpu.memory_space<vmem>>, vector<16xi32>,
    %get3A_1115 = vector.shape_cast %get3A_1114 : vector<16xi32> to vector<16xi32>
    %jit3A_1116 = arith.constant 0 : i32
    %jit3A_1117 = arith.constant 7 : i32
    %max3A_1118 = vector.broadcast %jit3A_1116 : i32 to vector<16xi32>
    %max3A_1119 = arith.maxsi %max3A_1118, %get3A_1115 : vector<16xi32>
    %min3A_1120 = vector.broadcast %jit3A_1117 : i32 to vector<16xi32>
    %min3A_1121 = arith.minsi %min3A_1120, %max3A_1119 : vector<16xi32>
    %get3A_1122 = arith.constant 416 : index
    %get3A_1123 = tpu.vector_load %arg9[%get3A_1122] {strides = array<i32>} : memref<512xi32, #tpu.memory_space<vmem>>, vector<16xi32>,
    %get3A_1124 = vector.shape_cast %get3A_1123 : vector<16xi32> to vector<16xi32>
    %jit3A_1125 = arith.constant 0 : i32
    %jit3A_1126 = arith.constant 7 : i32
    %max3A_1127 = vector.broadcast %jit3A_1125 : i32 to vector<16xi32>
    %max3A_1128 = arith.maxsi %max3A_1127, %get3A_1124 : vector<16xi32>
    %min3A_1129 = vector.broadcast %jit3A_1126 : i32 to vector<16xi32>
    %min3A_1130 = arith.minsi %min3A_1129, %max3A_1128 : vector<16xi32>
    %mul3A_1131 = arith.constant 64 : i32
    %mul3A_1132 = vector.broadcast %mul3A_1131 : i32 to vector<16xi32>
    %mul3A_1133 = arith.muli %min3A_1112, %mul3A_1132 : vector<16xi32>
    %mul3A_1134 = arith.constant 8 : i32
    %mul3A_1135 = vector.broadcast %mul3A_1134 : i32 to vector<16xi32>
    %mul3A_1136 = arith.muli %min3A_1121, %mul3A_1135 : vector<16xi32>
    %add3A_1137 = arith.addi %mul3A_1133, %mul3A_1136 : vector<16xi32>
    %add3A_1138 = arith.addi %add3A_1137, %min3A_1130 : vector<16xi32>
    %swap3A_1139 = arith.constant 3 : i32
    %swap3A_1140 = arith.index_cast %swap3A_1139 : i32 to index
    %swap3A_1141 = arith.constant 32 : index
    %swap3A_1142 = tpu.vector_load %arg10[%swap3A_1140, %swap3A_1141] {strides = array<i32>} : memref<4x128xi32, #tpu.memory_space<vmem>>, vector<1x16xi32>,
    %swap3A_1143 = vector.shape_cast %swap3A_1142 : vector<1x16xi32> to vector<16xi32>
    %swap3A_1144 = vector.shape_cast %add3A_1138 : vector<16xi32> to vector<1x16xi32>
    tpu.vector_store %arg10[%swap3A_1140, %swap3A_1141], %swap3A_1144 {strides = array<i32>} : memref<4x128xi32, #tpu.memory_space<vmem>>, vector<1x16xi32>,
    %get3A_1145 = arith.constant 432 : index
    %get3A_1146 = tpu.vector_load %arg7[%get3A_1145] {strides = array<i32>} : memref<512xi32, #tpu.memory_space<vmem>>, vector<16xi32>,
    %get3A_1147 = vector.shape_cast %get3A_1146 : vector<16xi32> to vector<16xi32>
    %jit3A_1148 = arith.constant 0 : i32
    %jit3A_1149 = arith.constant 7 : i32
    %max3A_1150 = vector.broadcast %jit3A_1148 : i32 to vector<16xi32>
    %max3A_1151 = arith.maxsi %max3A_1150, %get3A_1147 : vector<16xi32>
    %min3A_1152 = vector.broadcast %jit3A_1149 : i32 to vector<16xi32>
    %min3A_1153 = arith.minsi %min3A_1152, %max3A_1151 : vector<16xi32>
    %get3A_1154 = arith.constant 432 : index
    %get3A_1155 = tpu.vector_load %arg8[%get3A_1154] {strides = array<i32>} : memref<512xi32, #tpu.memory_space<vmem>>, vector<16xi32>,
    %get3A_1156 = vector.shape_cast %get3A_1155 : vector<16xi32> to vector<16xi32>
    %jit3A_1157 = arith.constant 0 : i32
    %jit3A_1158 = arith.constant 7 : i32
    %max3A_1159 = vector.broadcast %jit3A_1157 : i32 to vector<16xi32>
    %max3A_1160 = arith.maxsi %max3A_1159, %get3A_1156 : vector<16xi32>
    %min3A_1161 = vector.broadcast %jit3A_1158 : i32 to vector<16xi32>
    %min3A_1162 = arith.minsi %min3A_1161, %max3A_1160 : vector<16xi32>
    %get3A_1163 = arith.constant 432 : index
    %get3A_1164 = tpu.vector_load %arg9[%get3A_1163] {strides = array<i32>} : memref<512xi32, #tpu.memory_space<vmem>>, vector<16xi32>,
    %get3A_1165 = vector.shape_cast %get3A_1164 : vector<16xi32> to vector<16xi32>
    %jit3A_1166 = arith.constant 0 : i32
    %jit3A_1167 = arith.constant 7 : i32
    %max3A_1168 = vector.broadcast %jit3A_1166 : i32 to vector<16xi32>
    %max3A_1169 = arith.maxsi %max3A_1168, %get3A_1165 : vector<16xi32>
    %min3A_1170 = vector.broadcast %jit3A_1167 : i32 to vector<16xi32>
    %min3A_1171 = arith.minsi %min3A_1170, %max3A_1169 : vector<16xi32>
    %mul3A_1172 = arith.constant 64 : i32
    %mul3A_1173 = vector.broadcast %mul3A_1172 : i32 to vector<16xi32>
    %mul3A_1174 = arith.muli %min3A_1153, %mul3A_1173 : vector<16xi32>
    %mul3A_1175 = arith.constant 8 : i32
    %mul3A_1176 = vector.broadcast %mul3A_1175 : i32 to vector<16xi32>
    %mul3A_1177 = arith.muli %min3A_1162, %mul3A_1176 : vector<16xi32>
    %add3A_1178 = arith.addi %mul3A_1174, %mul3A_1177 : vector<16xi32>
    %add3A_1179 = arith.addi %add3A_1178, %min3A_1171 : vector<16xi32>
    %swap3A_1180 = arith.constant 3 : i32
    %swap3A_1181 = arith.index_cast %swap3A_1180 : i32 to index
    %swap3A_1182 = arith.constant 48 : index
    %swap3A_1183 = tpu.vector_load %arg10[%swap3A_1181, %swap3A_1182] {strides = array<i32>} : memref<4x128xi32, #tpu.memory_space<vmem>>, vector<1x16xi32>,
    %swap3A_1184 = vector.shape_cast %swap3A_1183 : vector<1x16xi32> to vector<16xi32>
    %swap3A_1185 = vector.shape_cast %add3A_1179 : vector<16xi32> to vector<1x16xi32>
    tpu.vector_store %arg10[%swap3A_1181, %swap3A_1182], %swap3A_1185 {strides = array<i32>} : memref<4x128xi32, #tpu.memory_space<vmem>>, vector<1x16xi32>,
    %get3A_1186 = arith.constant 448 : index
    %get3A_1187 = tpu.vector_load %arg7[%get3A_1186] {strides = array<i32>} : memref<512xi32, #tpu.memory_space<vmem>>, vector<16xi32>,
    %get3A_1188 = vector.shape_cast %get3A_1187 : vector<16xi32> to vector<16xi32>
    %jit3A_1189 = arith.constant 0 : i32
    %jit3A_1190 = arith.constant 7 : i32
    %max3A_1191 = vector.broadcast %jit3A_1189 : i32 to vector<16xi32>
    %max3A_1192 = arith.maxsi %max3A_1191, %get3A_1188 : vector<16xi32>
    %min3A_1193 = vector.broadcast %jit3A_1190 : i32 to vector<16xi32>
    %min3A_1194 = arith.minsi %min3A_1193, %max3A_1192 : vector<16xi32>
    %get3A_1195 = arith.constant 448 : index
    %get3A_1196 = tpu.vector_load %arg8[%get3A_1195] {strides = array<i32>} : memref<512xi32, #tpu.memory_space<vmem>>, vector<16xi32>,
    %get3A_1197 = vector.shape_cast %get3A_1196 : vector<16xi32> to vector<16xi32>
    %jit3A_1198 = arith.constant 0 : i32
    %jit3A_1199 = arith.constant 7 : i32
    %max3A_1200 = vector.broadcast %jit3A_1198 : i32 to vector<16xi32>
    %max3A_1201 = arith.maxsi %max3A_1200, %get3A_1197 : vector<16xi32>
    %min3A_1202 = vector.broadcast %jit3A_1199 : i32 to vector<16xi32>
    %min3A_1203 = arith.minsi %min3A_1202, %max3A_1201 : vector<16xi32>
    %get3A_1204 = arith.constant 448 : index
    %get3A_1205 = tpu.vector_load %arg9[%get3A_1204] {strides = array<i32>} : memref<512xi32, #tpu.memory_space<vmem>>, vector<16xi32>,
    %get3A_1206 = vector.shape_cast %get3A_1205 : vector<16xi32> to vector<16xi32>
    %jit3A_1207 = arith.constant 0 : i32
    %jit3A_1208 = arith.constant 7 : i32
    %max3A_1209 = vector.broadcast %jit3A_1207 : i32 to vector<16xi32>
    %max3A_1210 = arith.maxsi %max3A_1209, %get3A_1206 : vector<16xi32>
    %min3A_1211 = vector.broadcast %jit3A_1208 : i32 to vector<16xi32>
    %min3A_1212 = arith.minsi %min3A_1211, %max3A_1210 : vector<16xi32>
    %mul3A_1213 = arith.constant 64 : i32
    %mul3A_1214 = vector.broadcast %mul3A_1213 : i32 to vector<16xi32>
    %mul3A_1215 = arith.muli %min3A_1194, %mul3A_1214 : vector<16xi32>
    %mul3A_1216 = arith.constant 8 : i32
    %mul3A_1217 = vector.broadcast %mul3A_1216 : i32 to vector<16xi32>
    %mul3A_1218 = arith.muli %min3A_1203, %mul3A_1217 : vector<16xi32>
    %add3A_1219 = arith.addi %mul3A_1215, %mul3A_1218 : vector<16xi32>
    %add3A_1220 = arith.addi %add3A_1219, %min3A_1212 : vector<16xi32>
    %swap3A_1221 = arith.constant 3 : i32
    %swap3A_1222 = arith.index_cast %swap3A_1221 : i32 to index
    %swap3A_1223 = arith.constant 64 : index
    %swap3A_1224 = tpu.vector_load %arg10[%swap3A_1222, %swap3A_1223] {strides = array<i32>} : memref<4x128xi32, #tpu.memory_space<vmem>>, vector<1x16xi32>,
    %swap3A_1225 = vector.shape_cast %swap3A_1224 : vector<1x16xi32> to vector<16xi32>
    %swap3A_1226 = vector.shape_cast %add3A_1220 : vector<16xi32> to vector<1x16xi32>
    tpu.vector_store %arg10[%swap3A_1222, %swap3A_1223], %swap3A_1226 {strides = array<i32>} : memref<4x128xi32, #tpu.memory_space<vmem>>, vector<1x16xi32>,
    %get3A_1227 = arith.constant 464 : index
    %get3A_1228 = tpu.vector_load %arg7[%get3A_1227] {strides = array<i32>} : memref<512xi32, #tpu.memory_space<vmem>>, vector<16xi32>,
    %get3A_1229 = vector.shape_cast %get3A_1228 : vector<16xi32> to vector<16xi32>
    %jit3A_1230 = arith.constant 0 : i32
    %jit3A_1231 = arith.constant 7 : i32
    %max3A_1232 = vector.broadcast %jit3A_1230 : i32 to vector<16xi32>
    %max3A_1233 = arith.maxsi %max3A_1232, %get3A_1229 : vector<16xi32>
    %min3A_1234 = vector.broadcast %jit3A_1231 : i32 to vector<16xi32>
    %min3A_1235 = arith.minsi %min3A_1234, %max3A_1233 : vector<16xi32>
    %get3A_1236 = arith.constant 464 : index
    %get3A_1237 = tpu.vector_load %arg8[%get3A_1236] {strides = array<i32>} : memref<512xi32, #tpu.memory_space<vmem>>, vector<16xi32>,
    %get3A_1238 = vector.shape_cast %get3A_1237 : vector<16xi32> to vector<16xi32>
    %jit3A_1239 = arith.constant 0 : i32
    %jit3A_1240 = arith.constant 7 : i32
    %max3A_1241 = vector.broadcast %jit3A_1239 : i32 to vector<16xi32>
    %max3A_1242 = arith.maxsi %max3A_1241, %get3A_1238 : vector<16xi32>
    %min3A_1243 = vector.broadcast %jit3A_1240 : i32 to vector<16xi32>
    %min3A_1244 = arith.minsi %min3A_1243, %max3A_1242 : vector<16xi32>
    %get3A_1245 = arith.constant 464 : index
    %get3A_1246 = tpu.vector_load %arg9[%get3A_1245] {strides = array<i32>} : memref<512xi32, #tpu.memory_space<vmem>>, vector<16xi32>,
    %get3A_1247 = vector.shape_cast %get3A_1246 : vector<16xi32> to vector<16xi32>
    %jit3A_1248 = arith.constant 0 : i32
    %jit3A_1249 = arith.constant 7 : i32
    %max3A_1250 = vector.broadcast %jit3A_1248 : i32 to vector<16xi32>
    %max3A_1251 = arith.maxsi %max3A_1250, %get3A_1247 : vector<16xi32>
    %min3A_1252 = vector.broadcast %jit3A_1249 : i32 to vector<16xi32>
    %min3A_1253 = arith.minsi %min3A_1252, %max3A_1251 : vector<16xi32>
    %mul3A_1254 = arith.constant 64 : i32
    %mul3A_1255 = vector.broadcast %mul3A_1254 : i32 to vector<16xi32>
    %mul3A_1256 = arith.muli %min3A_1235, %mul3A_1255 : vector<16xi32>
    %mul3A_1257 = arith.constant 8 : i32
    %mul3A_1258 = vector.broadcast %mul3A_1257 : i32 to vector<16xi32>
    %mul3A_1259 = arith.muli %min3A_1244, %mul3A_1258 : vector<16xi32>
    %add3A_1260 = arith.addi %mul3A_1256, %mul3A_1259 : vector<16xi32>
    %add3A_1261 = arith.addi %add3A_1260, %min3A_1253 : vector<16xi32>
    %swap3A_1262 = arith.constant 3 : i32
    %swap3A_1263 = arith.index_cast %swap3A_1262 : i32 to index
    %swap3A_1264 = arith.constant 80 : index
    %swap3A_1265 = tpu.vector_load %arg10[%swap3A_1263, %swap3A_1264] {strides = array<i32>} : memref<4x128xi32, #tpu.memory_space<vmem>>, vector<1x16xi32>,
    %swap3A_1266 = vector.shape_cast %swap3A_1265 : vector<1x16xi32> to vector<16xi32>
    %swap3A_1267 = vector.shape_cast %add3A_1261 : vector<16xi32> to vector<1x16xi32>
    tpu.vector_store %arg10[%swap3A_1263, %swap3A_1264], %swap3A_1267 {strides = array<i32>} : memref<4x128xi32, #tpu.memory_space<vmem>>, vector<1x16xi32>,
    %get3A_1268 = arith.constant 480 : index
    %get3A_1269 = tpu.vector_load %arg7[%get3A_1268] {strides = array<i32>} : memref<512xi32, #tpu.memory_space<vmem>>, vector<16xi32>,
    %get3A_1270 = vector.shape_cast %get3A_1269 : vector<16xi32> to vector<16xi32>
    %jit3A_1271 = arith.constant 0 : i32
    %jit3A_1272 = arith.constant 7 : i32
    %max3A_1273 = vector.broadcast %jit3A_1271 : i32 to vector<16xi32>
    %max3A_1274 = arith.maxsi %max3A_1273, %get3A_1270 : vector<16xi32>
    %min3A_1275 = vector.broadcast %jit3A_1272 : i32 to vector<16xi32>
    %min3A_1276 = arith.minsi %min3A_1275, %max3A_1274 : vector<16xi32>
    %get3A_1277 = arith.constant 480 : index
    %get3A_1278 = tpu.vector_load %arg8[%get3A_1277] {strides = array<i32>} : memref<512xi32, #tpu.memory_space<vmem>>, vector<16xi32>,
    %get3A_1279 = vector.shape_cast %get3A_1278 : vector<16xi32> to vector<16xi32>
    %jit3A_1280 = arith.constant 0 : i32
    %jit3A_1281 = arith.constant 7 : i32
    %max3A_1282 = vector.broadcast %jit3A_1280 : i32 to vector<16xi32>
    %max3A_1283 = arith.maxsi %max3A_1282, %get3A_1279 : vector<16xi32>
    %min3A_1284 = vector.broadcast %jit3A_1281 : i32 to vector<16xi32>
    %min3A_1285 = arith.minsi %min3A_1284, %max3A_1283 : vector<16xi32>
    %get3A_1286 = arith.constant 480 : index
    %get3A_1287 = tpu.vector_load %arg9[%get3A_1286] {strides = array<i32>} : memref<512xi32, #tpu.memory_space<vmem>>, vector<16xi32>,
    %get3A_1288 = vector.shape_cast %get3A_1287 : vector<16xi32> to vector<16xi32>
    %jit3A_1289 = arith.constant 0 : i32
    %jit3A_1290 = arith.constant 7 : i32
    %max3A_1291 = vector.broadcast %jit3A_1289 : i32 to vector<16xi32>
    %max3A_1292 = arith.maxsi %max3A_1291, %get3A_1288 : vector<16xi32>
    %min3A_1293 = vector.broadcast %jit3A_1290 : i32 to vector<16xi32>
    %min3A_1294 = arith.minsi %min3A_1293, %max3A_1292 : vector<16xi32>
    %mul3A_1295 = arith.constant 64 : i32
    %mul3A_1296 = vector.broadcast %mul3A_1295 : i32 to vector<16xi32>
    %mul3A_1297 = arith.muli %min3A_1276, %mul3A_1296 : vector<16xi32>
    %mul3A_1298 = arith.constant 8 : i32
    %mul3A_1299 = vector.broadcast %mul3A_1298 : i32 to vector<16xi32>
    %mul3A_1300 = arith.muli %min3A_1285, %mul3A_1299 : vector<16xi32>
    %add3A_1301 = arith.addi %mul3A_1297, %mul3A_1300 : vector<16xi32>
    %add3A_1302 = arith.addi %add3A_1301, %min3A_1294 : vector<16xi32>
    %swap3A_1303 = arith.constant 3 : i32
    %swap3A_1304 = arith.index_cast %swap3A_1303 : i32 to index
    %swap3A_1305 = arith.constant 96 : index
    %swap3A_1306 = tpu.vector_load %arg10[%swap3A_1304, %swap3A_1305] {strides = array<i32>} : memref<4x128xi32, #tpu.memory_space<vmem>>, vector<1x16xi32>,
    %swap3A_1307 = vector.shape_cast %swap3A_1306 : vector<1x16xi32> to vector<16xi32>
    %swap3A_1308 = vector.shape_cast %add3A_1302 : vector<16xi32> to vector<1x16xi32>
    tpu.vector_store %arg10[%swap3A_1304, %swap3A_1305], %swap3A_1308 {strides = array<i32>} : memref<4x128xi32, #tpu.memory_space<vmem>>, vector<1x16xi32>,
    %get3A_1309 = arith.constant 496 : index
    %get3A_1310 = tpu.vector_load %arg7[%get3A_1309] {strides = array<i32>} : memref<512xi32, #tpu.memory_space<vmem>>, vector<16xi32>,
    %get3A_1311 = vector.shape_cast %get3A_1310 : vector<16xi32> to vector<16xi32>
    %jit3A_1312 = arith.constant 0 : i32
    %jit3A_1313 = arith.constant 7 : i32
    %max3A_1314 = vector.broadcast %jit3A_1312 : i32 to vector<16xi32>
    %max3A_1315 = arith.maxsi %max3A_1314, %get3A_1311 : vector<16xi32>
    %min3A_1316 = vector.broadcast %jit3A_1313 : i32 to vector<16xi32>
    %min3A_1317 = arith.minsi %min3A_1316, %max3A_1315 : vector<16xi32>
    %get3A_1318 = arith.constant 496 : index
    %get3A_1319 = tpu.vector_load %arg8[%get3A_1318] {strides = array<i32>} : memref<512xi32, #tpu.memory_space<vmem>>, vector<16xi32>,
    %get3A_1320 = vector.shape_cast %get3A_1319 : vector<16xi32> to vector<16xi32>
    %jit3A_1321 = arith.constant 0 : i32
    %jit3A_1322 = arith.constant 7 : i32
    %max3A_1323 = vector.broadcast %jit3A_1321 : i32 to vector<16xi32>
    %max3A_1324 = arith.maxsi %max3A_1323, %get3A_1320 : vector<16xi32>
    %min3A_1325 = vector.broadcast %jit3A_1322 : i32 to vector<16xi32>
    %min3A_1326 = arith.minsi %min3A_1325, %max3A_1324 : vector<16xi32>
    %get3A_1327 = arith.constant 496 : index
    %get3A_1328 = tpu.vector_load %arg9[%get3A_1327] {strides = array<i32>} : memref<512xi32, #tpu.memory_space<vmem>>, vector<16xi32>,
    %get3A_1329 = vector.shape_cast %get3A_1328 : vector<16xi32> to vector<16xi32>
    %jit3A_1330 = arith.constant 0 : i32
    %jit3A_1331 = arith.constant 7 : i32
    %max3A_1332 = vector.broadcast %jit3A_1330 : i32 to vector<16xi32>
    %max3A_1333 = arith.maxsi %max3A_1332, %get3A_1329 : vector<16xi32>
    %min3A_1334 = vector.broadcast %jit3A_1331 : i32 to vector<16xi32>
    %min3A_1335 = arith.minsi %min3A_1334, %max3A_1333 : vector<16xi32>
    %mul3A_1336 = arith.constant 64 : i32
    %mul3A_1337 = vector.broadcast %mul3A_1336 : i32 to vector<16xi32>
    %mul3A_1338 = arith.muli %min3A_1317, %mul3A_1337 : vector<16xi32>
    %mul3A_1339 = arith.constant 8 : i32
    %mul3A_1340 = vector.broadcast %mul3A_1339 : i32 to vector<16xi32>
    %mul3A_1341 = arith.muli %min3A_1326, %mul3A_1340 : vector<16xi32>
    %add3A_1342 = arith.addi %mul3A_1338, %mul3A_1341 : vector<16xi32>
    %add3A_1343 = arith.addi %add3A_1342, %min3A_1335 : vector<16xi32>
    %swap3A_1344 = arith.constant 3 : i32
    %swap3A_1345 = arith.index_cast %swap3A_1344 : i32 to index
    %swap3A_1346 = arith.constant 112 : index
    %swap3A_1347 = tpu.vector_load %arg10[%swap3A_1345, %swap3A_1346] {strides = array<i32>} : memref<4x128xi32, #tpu.memory_space<vmem>>, vector<1x16xi32>,
    %swap3A_1348 = vector.shape_cast %swap3A_1347 : vector<1x16xi32> to vector<16xi32>
    %swap3A_1349 = vector.shape_cast %add3A_1343 : vector<16xi32> to vector<1x16xi32>
    tpu.vector_store %arg10[%swap3A_1345, %swap3A_1346], %swap3A_1349 {strides = array<i32>} : memref<4x128xi32, #tpu.memory_space<vmem>>, vector<1x16xi32>,
    %dma_start3A_1350 = arith.constant 3 : i32
    %dma_start3A_1351 = arith.constant 384 : i32
    %dma_start3A_1352 = arith.constant 0 : i32
    %dma_start3A_1353 = tpu.memref_slice %arg11[%dma_start3A_1351, %dma_start3A_1352] : memref<512x128xf32, #tpu.memory_space<vmem>> -> memref<128x128xf32, #tpu.memory_space<vmem>>
    %dma_start3A_1354 = arith.constant 0 : i32
    %dma_start3A_1355 = tpu.memref_slice %arg10[%dma_start3A_1350, %dma_start3A_1354] : memref<4x128xi32, #tpu.memory_space<vmem>> -> memref<1x128xi32, #tpu.memory_space<vmem>>
    %dma_start3A_1356 = tpu.memref_squeeze %dma_start3A_1355 : memref<1x128xi32, #tpu.memory_space<vmem>> -> memref<128xi32, #tpu.memory_space<vmem>>
    %dma_start3A_1357 = arith.constant 0 : i32
    %dma_start3A_1358 = arith.constant 0 : i32
    %dma_start3A_1359 = tpu.memref_slice %arg2[%dma_start3A_1357, %dma_start3A_1358] : memref<512x128xf32, #tpu.memory_space<hbm>> -> memref<512x128xf32, #tpu.memory_space<hbm>>
    tpu.enqueue_indirect_dma source(%dma_start3A_1359 : memref<512x128xf32, #tpu.memory_space<hbm>>) target(%dma_start3A_1353 : memref<128x128xf32, #tpu.memory_space<vmem>>) offsets(%dma_start3A_1356 : memref<128xi32, #tpu.memory_space<vmem>>) semaphore(%arg13 : memref<!tpu.dma_semaphore, #tpu.memory_space<semaphore_mem>>)
    %dma_wait3A_1360 = arith.constant 0 : i32
    %dma_wait3A_1361 = arith.constant 0 : i32
    %dma_wait3A_1362 = arith.constant 0 : i32
    %dma_wait3A_1363 = tpu.memref_slice %arg11[%dma_wait3A_1361, %dma_wait3A_1362] : memref<512x128xf32, #tpu.memory_space<vmem>> -> memref<128x128xf32, #tpu.memory_space<vmem>>
    %dma_wait3A_1364 = arith.constant 0 : i32
    %dma_wait3A_1365 = tpu.memref_slice %arg10[%dma_wait3A_1360, %dma_wait3A_1364] : memref<4x128xi32, #tpu.memory_space<vmem>> -> memref<1x128xi32, #tpu.memory_space<vmem>>
    %dma_wait3A_1366 = tpu.memref_squeeze %dma_wait3A_1365 : memref<1x128xi32, #tpu.memory_space<vmem>> -> memref<128xi32, #tpu.memory_space<vmem>>
    %dma_wait3A_1367 = arith.constant 0 : i32
    %dma_wait3A_1368 = arith.constant 0 : i32
    %dma_wait3A_1369 = tpu.memref_slice %arg2[%dma_wait3A_1367, %dma_wait3A_1368] : memref<512x128xf32, #tpu.memory_space<hbm>> -> memref<512x128xf32, #tpu.memory_space<hbm>>
    tpu.wait_indirect_dma semaphore(%arg13 : memref<!tpu.dma_semaphore, #tpu.memory_space<semaphore_mem>>) src(%dma_wait3A_1369 : memref<512x128xf32, #tpu.memory_space<hbm>>) dst(%dma_wait3A_1363 : memref<128x128xf32, #tpu.memory_space<vmem>>)
    %add3A_1370 = arith.constant 0 : i32
    %add3A_1371 = arith.addi %mul3A_2, %add3A_1370 : i32
    %dma_start3A_1372 = arith.constant 0 : i32
    %dma_start3A_1373 = arith.constant 0 : i32
    %dma_start3A_1374 = tpu.memref_slice %arg11[%dma_start3A_1372, %dma_start3A_1373] : memref<512x128xf32, #tpu.memory_space<vmem>> -> memref<128x128xf32, #tpu.memory_space<vmem>>
    %dma_start3A_1375 = arith.constant 0 : i32
    %dma_start3A_1376 = tpu.memref_slice %arg6[%add3A_1371, %dma_start3A_1375] : memref<16384x128xf32, #tpu.memory_space<hbm>> -> memref<128x128xf32, #tpu.memory_space<hbm>>
    %dma_start3A_1377 = arith.constant 0 : i32
    %dma_start3A_1378 = tpu.memref_slice %arg6[%add3A_1371, %dma_start3A_1377] : memref<16384x128xf32, #tpu.memory_space<hbm>> -> memref<128x128xf32, #tpu.memory_space<hbm>>
    %dma_start3A_1379 = arith.constant 0 : i32
    %dma_start3A_1380 = arith.constant 0 : i32
    %dma_start3A_1381 = tpu.memref_slice %arg11[%dma_start3A_1379, %dma_start3A_1380] : memref<512x128xf32, #tpu.memory_space<vmem>> -> memref<128x128xf32, #tpu.memory_space<vmem>>
    tpu.enqueue_dma source(%dma_start3A_1381 : memref<128x128xf32, #tpu.memory_space<vmem>>) target(%dma_start3A_1378 : memref<128x128xf32, #tpu.memory_space<hbm>>) target_semaphore(%arg14 : memref<!tpu.dma_semaphore, #tpu.memory_space<semaphore_mem>>)
    %dma_wait3A_1382 = arith.constant 1 : i32
    %dma_wait3A_1383 = arith.constant 128 : i32
    %dma_wait3A_1384 = arith.constant 0 : i32
    %dma_wait3A_1385 = tpu.memref_slice %arg11[%dma_wait3A_1383, %dma_wait3A_1384] : memref<512x128xf32, #tpu.memory_space<vmem>> -> memref<128x128xf32, #tpu.memory_space<vmem>>
    %dma_wait3A_1386 = arith.constant 0 : i32
    %dma_wait3A_1387 = tpu.memref_slice %arg10[%dma_wait3A_1382, %dma_wait3A_1386] : memref<4x128xi32, #tpu.memory_space<vmem>> -> memref<1x128xi32, #tpu.memory_space<vmem>>
    %dma_wait3A_1388 = tpu.memref_squeeze %dma_wait3A_1387 : memref<1x128xi32, #tpu.memory_space<vmem>> -> memref<128xi32, #tpu.memory_space<vmem>>
    %dma_wait3A_1389 = arith.constant 0 : i32
    %dma_wait3A_1390 = arith.constant 0 : i32
    %dma_wait3A_1391 = tpu.memref_slice %arg2[%dma_wait3A_1389, %dma_wait3A_1390] : memref<512x128xf32, #tpu.memory_space<hbm>> -> memref<512x128xf32, #tpu.memory_space<hbm>>
    tpu.wait_indirect_dma semaphore(%arg13 : memref<!tpu.dma_semaphore, #tpu.memory_space<semaphore_mem>>) src(%dma_wait3A_1391 : memref<512x128xf32, #tpu.memory_space<hbm>>) dst(%dma_wait3A_1385 : memref<128x128xf32, #tpu.memory_space<vmem>>)
    %add3A_1392 = arith.constant 128 : i32
    %add3A_1393 = arith.addi %mul3A_2, %add3A_1392 : i32
    %dma_start3A_1394 = arith.constant 128 : i32
    %dma_start3A_1395 = arith.constant 0 : i32
    %dma_start3A_1396 = tpu.memref_slice %arg11[%dma_start3A_1394, %dma_start3A_1395] : memref<512x128xf32, #tpu.memory_space<vmem>> -> memref<128x128xf32, #tpu.memory_space<vmem>>
    %dma_start3A_1397 = arith.constant 0 : i32
    %dma_start3A_1398 = tpu.memref_slice %arg6[%add3A_1393, %dma_start3A_1397] : memref<16384x128xf32, #tpu.memory_space<hbm>> -> memref<128x128xf32, #tpu.memory_space<hbm>>
    %dma_start3A_1399 = arith.constant 0 : i32
    %dma_start3A_1400 = tpu.memref_slice %arg6[%add3A_1393, %dma_start3A_1399] : memref<16384x128xf32, #tpu.memory_space<hbm>> -> memref<128x128xf32, #tpu.memory_space<hbm>>
    %dma_start3A_1401 = arith.constant 128 : i32
    %dma_start3A_1402 = arith.constant 0 : i32
    %dma_start3A_1403 = tpu.memref_slice %arg11[%dma_start3A_1401, %dma_start3A_1402] : memref<512x128xf32, #tpu.memory_space<vmem>> -> memref<128x128xf32, #tpu.memory_space<vmem>>
    tpu.enqueue_dma source(%dma_start3A_1403 : memref<128x128xf32, #tpu.memory_space<vmem>>) target(%dma_start3A_1400 : memref<128x128xf32, #tpu.memory_space<hbm>>) target_semaphore(%arg14 : memref<!tpu.dma_semaphore, #tpu.memory_space<semaphore_mem>>)
    %dma_wait3A_1404 = arith.constant 2 : i32
    %dma_wait3A_1405 = arith.constant 256 : i32
    %dma_wait3A_1406 = arith.constant 0 : i32
    %dma_wait3A_1407 = tpu.memref_slice %arg11[%dma_wait3A_1405, %dma_wait3A_1406] : memref<512x128xf32, #tpu.memory_space<vmem>> -> memref<128x128xf32, #tpu.memory_space<vmem>>
    %dma_wait3A_1408 = arith.constant 0 : i32
    %dma_wait3A_1409 = tpu.memref_slice %arg10[%dma_wait3A_1404, %dma_wait3A_1408] : memref<4x128xi32, #tpu.memory_space<vmem>> -> memref<1x128xi32, #tpu.memory_space<vmem>>
    %dma_wait3A_1410 = tpu.memref_squeeze %dma_wait3A_1409 : memref<1x128xi32, #tpu.memory_space<vmem>> -> memref<128xi32, #tpu.memory_space<vmem>>
    %dma_wait3A_1411 = arith.constant 0 : i32
    %dma_wait3A_1412 = arith.constant 0 : i32
    %dma_wait3A_1413 = tpu.memref_slice %arg2[%dma_wait3A_1411, %dma_wait3A_1412] : memref<512x128xf32, #tpu.memory_space<hbm>> -> memref<512x128xf32, #tpu.memory_space<hbm>>
    tpu.wait_indirect_dma semaphore(%arg13 : memref<!tpu.dma_semaphore, #tpu.memory_space<semaphore_mem>>) src(%dma_wait3A_1413 : memref<512x128xf32, #tpu.memory_space<hbm>>) dst(%dma_wait3A_1407 : memref<128x128xf32, #tpu.memory_space<vmem>>)
    %add3A_1414 = arith.constant 256 : i32
    %add3A_1415 = arith.addi %mul3A_2, %add3A_1414 : i32
    %dma_start3A_1416 = arith.constant 256 : i32
    %dma_start3A_1417 = arith.constant 0 : i32
    %dma_start3A_1418 = tpu.memref_slice %arg11[%dma_start3A_1416, %dma_start3A_1417] : memref<512x128xf32, #tpu.memory_space<vmem>> -> memref<128x128xf32, #tpu.memory_space<vmem>>
    %dma_start3A_1419 = arith.constant 0 : i32
    %dma_start3A_1420 = tpu.memref_slice %arg6[%add3A_1415, %dma_start3A_1419] : memref<16384x128xf32, #tpu.memory_space<hbm>> -> memref<128x128xf32, #tpu.memory_space<hbm>>
    %dma_start3A_1421 = arith.constant 0 : i32
    %dma_start3A_1422 = tpu.memref_slice %arg6[%add3A_1415, %dma_start3A_1421] : memref<16384x128xf32, #tpu.memory_space<hbm>> -> memref<128x128xf32, #tpu.memory_space<hbm>>
    %dma_start3A_1423 = arith.constant 256 : i32
    %dma_start3A_1424 = arith.constant 0 : i32
    %dma_start3A_1425 = tpu.memref_slice %arg11[%dma_start3A_1423, %dma_start3A_1424] : memref<512x128xf32, #tpu.memory_space<vmem>> -> memref<128x128xf32, #tpu.memory_space<vmem>>
    tpu.enqueue_dma source(%dma_start3A_1425 : memref<128x128xf32, #tpu.memory_space<vmem>>) target(%dma_start3A_1422 : memref<128x128xf32, #tpu.memory_space<hbm>>) target_semaphore(%arg14 : memref<!tpu.dma_semaphore, #tpu.memory_space<semaphore_mem>>)
    %dma_wait3A_1426 = arith.constant 3 : i32
    %dma_wait3A_1427 = arith.constant 384 : i32
    %dma_wait3A_1428 = arith.constant 0 : i32
    %dma_wait3A_1429 = tpu.memref_slice %arg11[%dma_wait3A_1427, %dma_wait3A_1428] : memref<512x128xf32, #tpu.memory_space<vmem>> -> memref<128x128xf32, #tpu.memory_space<vmem>>
    %dma_wait3A_1430 = arith.constant 0 : i32
    %dma_wait3A_1431 = tpu.memref_slice %arg10[%dma_wait3A_1426, %dma_wait3A_1430] : memref<4x128xi32, #tpu.memory_space<vmem>> -> memref<1x128xi32, #tpu.memory_space<vmem>>
    %dma_wait3A_1432 = tpu.memref_squeeze %dma_wait3A_1431 : memref<1x128xi32, #tpu.memory_space<vmem>> -> memref<128xi32, #tpu.memory_space<vmem>>
    %dma_wait3A_1433 = arith.constant 0 : i32
    %dma_wait3A_1434 = arith.constant 0 : i32
    %dma_wait3A_1435 = tpu.memref_slice %arg2[%dma_wait3A_1433, %dma_wait3A_1434] : memref<512x128xf32, #tpu.memory_space<hbm>> -> memref<512x128xf32, #tpu.memory_space<hbm>>
    tpu.wait_indirect_dma semaphore(%arg13 : memref<!tpu.dma_semaphore, #tpu.memory_space<semaphore_mem>>) src(%dma_wait3A_1435 : memref<512x128xf32, #tpu.memory_space<hbm>>) dst(%dma_wait3A_1429 : memref<128x128xf32, #tpu.memory_space<vmem>>)
    %add3A_1436 = arith.constant 384 : i32
    %add3A_1437 = arith.addi %mul3A_2, %add3A_1436 : i32
    %dma_start3A_1438 = arith.constant 384 : i32
    %dma_start3A_1439 = arith.constant 0 : i32
    %dma_start3A_1440 = tpu.memref_slice %arg11[%dma_start3A_1438, %dma_start3A_1439] : memref<512x128xf32, #tpu.memory_space<vmem>> -> memref<128x128xf32, #tpu.memory_space<vmem>>
    %dma_start3A_1441 = arith.constant 0 : i32
    %dma_start3A_1442 = tpu.memref_slice %arg6[%add3A_1437, %dma_start3A_1441] : memref<16384x128xf32, #tpu.memory_space<hbm>> -> memref<128x128xf32, #tpu.memory_space<hbm>>
    %dma_start3A_1443 = arith.constant 0 : i32
    %dma_start3A_1444 = tpu.memref_slice %arg6[%add3A_1437, %dma_start3A_1443] : memref<16384x128xf32, #tpu.memory_space<hbm>> -> memref<128x128xf32, #tpu.memory_space<hbm>>
    %dma_start3A_1445 = arith.constant 384 : i32
    %dma_start3A_1446 = arith.constant 0 : i32
    %dma_start3A_1447 = tpu.memref_slice %arg11[%dma_start3A_1445, %dma_start3A_1446] : memref<512x128xf32, #tpu.memory_space<vmem>> -> memref<128x128xf32, #tpu.memory_space<vmem>>
    tpu.enqueue_dma source(%dma_start3A_1447 : memref<128x128xf32, #tpu.memory_space<vmem>>) target(%dma_start3A_1444 : memref<128x128xf32, #tpu.memory_space<hbm>>) target_semaphore(%arg14 : memref<!tpu.dma_semaphore, #tpu.memory_space<semaphore_mem>>)
    %dma_wait3A_1448 = arith.constant 0 : i32
    %dma_wait3A_1449 = arith.constant 0 : i32
    %dma_wait3A_1450 = tpu.memref_slice %arg11[%dma_wait3A_1448, %dma_wait3A_1449] : memref<512x128xf32, #tpu.memory_space<vmem>> -> memref<128x128xf32, #tpu.memory_space<vmem>>
    %dma_wait3A_1451 = arith.constant 0 : i32
    %dma_wait3A_1452 = tpu.memref_slice %arg6[%add3A_1371, %dma_wait3A_1451] : memref<16384x128xf32, #tpu.memory_space<hbm>> -> memref<128x128xf32, #tpu.memory_space<hbm>>
    %dma_wait3A_1453 = arith.constant 0 : i32
    %dma_wait3A_1454 = tpu.memref_slice %arg6[%add3A_1371, %dma_wait3A_1453] : memref<16384x128xf32, #tpu.memory_space<hbm>> -> memref<128x128xf32, #tpu.memory_space<hbm>>
    %dma_wait3A_1455 = arith.constant 0 : i32
    %dma_wait3A_1456 = arith.constant 0 : i32
    %dma_wait3A_1457 = tpu.memref_slice %arg11[%dma_wait3A_1455, %dma_wait3A_1456] : memref<512x128xf32, #tpu.memory_space<vmem>> -> memref<128x128xf32, #tpu.memory_space<vmem>>
    tpu.wait_dma2 semaphore(%arg14 : memref<!tpu.dma_semaphore, #tpu.memory_space<semaphore_mem>>) src(%dma_wait3A_1457 : memref<128x128xf32, #tpu.memory_space<vmem>>) dst(%dma_wait3A_1454 : memref<128x128xf32, #tpu.memory_space<hbm>>)
    %dma_wait3A_1458 = arith.constant 128 : i32
    %dma_wait3A_1459 = arith.constant 0 : i32
    %dma_wait3A_1460 = tpu.memref_slice %arg11[%dma_wait3A_1458, %dma_wait3A_1459] : memref<512x128xf32, #tpu.memory_space<vmem>> -> memref<128x128xf32, #tpu.memory_space<vmem>>
    %dma_wait3A_1461 = arith.constant 0 : i32
    %dma_wait3A_1462 = tpu.memref_slice %arg6[%add3A_1393, %dma_wait3A_1461] : memref<16384x128xf32, #tpu.memory_space<hbm>> -> memref<128x128xf32, #tpu.memory_space<hbm>>
    %dma_wait3A_1463 = arith.constant 0 : i32
    %dma_wait3A_1464 = tpu.memref_slice %arg6[%add3A_1393, %dma_wait3A_1463] : memref<16384x128xf32, #tpu.memory_space<hbm>> -> memref<128x128xf32, #tpu.memory_space<hbm>>
    %dma_wait3A_1465 = arith.constant 128 : i32
    %dma_wait3A_1466 = arith.constant 0 : i32
    %dma_wait3A_1467 = tpu.memref_slice %arg11[%dma_wait3A_1465, %dma_wait3A_1466] : memref<512x128xf32, #tpu.memory_space<vmem>> -> memref<128x128xf32, #tpu.memory_space<vmem>>
    tpu.wait_dma2 semaphore(%arg14 : memref<!tpu.dma_semaphore, #tpu.memory_space<semaphore_mem>>) src(%dma_wait3A_1467 : memref<128x128xf32, #tpu.memory_space<vmem>>) dst(%dma_wait3A_1464 : memref<128x128xf32, #tpu.memory_space<hbm>>)
    %dma_wait3A_1468 = arith.constant 256 : i32
    %dma_wait3A_1469 = arith.constant 0 : i32
    %dma_wait3A_1470 = tpu.memref_slice %arg11[%dma_wait3A_1468, %dma_wait3A_1469] : memref<512x128xf32, #tpu.memory_space<vmem>> -> memref<128x128xf32, #tpu.memory_space<vmem>>
    %dma_wait3A_1471 = arith.constant 0 : i32
    %dma_wait3A_1472 = tpu.memref_slice %arg6[%add3A_1415, %dma_wait3A_1471] : memref<16384x128xf32, #tpu.memory_space<hbm>> -> memref<128x128xf32, #tpu.memory_space<hbm>>
    %dma_wait3A_1473 = arith.constant 0 : i32
    %dma_wait3A_1474 = tpu.memref_slice %arg6[%add3A_1415, %dma_wait3A_1473] : memref<16384x128xf32, #tpu.memory_space<hbm>> -> memref<128x128xf32, #tpu.memory_space<hbm>>
    %dma_wait3A_1475 = arith.constant 256 : i32
    %dma_wait3A_1476 = arith.constant 0 : i32
    %dma_wait3A_1477 = tpu.memref_slice %arg11[%dma_wait3A_1475, %dma_wait3A_1476] : memref<512x128xf32, #tpu.memory_space<vmem>> -> memref<128x128xf32, #tpu.memory_space<vmem>>
    tpu.wait_dma2 semaphore(%arg14 : memref<!tpu.dma_semaphore, #tpu.memory_space<semaphore_mem>>) src(%dma_wait3A_1477 : memref<128x128xf32, #tpu.memory_space<vmem>>) dst(%dma_wait3A_1474 : memref<128x128xf32, #tpu.memory_space<hbm>>)
    %dma_wait3A_1478 = arith.constant 384 : i32
    %dma_wait3A_1479 = arith.constant 0 : i32
    %dma_wait3A_1480 = tpu.memref_slice %arg11[%dma_wait3A_1478, %dma_wait3A_1479] : memref<512x128xf32, #tpu.memory_space<vmem>> -> memref<128x128xf32, #tpu.memory_space<vmem>>
    %dma_wait3A_1481 = arith.constant 0 : i32
    %dma_wait3A_1482 = tpu.memref_slice %arg6[%add3A_1437, %dma_wait3A_1481] : memref<16384x128xf32, #tpu.memory_space<hbm>> -> memref<128x128xf32, #tpu.memory_space<hbm>>
    %dma_wait3A_1483 = arith.constant 0 : i32
    %dma_wait3A_1484 = tpu.memref_slice %arg6[%add3A_1437, %dma_wait3A_1483] : memref<16384x128xf32, #tpu.memory_space<hbm>> -> memref<128x128xf32, #tpu.memory_space<hbm>>
    %dma_wait3A_1485 = arith.constant 384 : i32
    %dma_wait3A_1486 = arith.constant 0 : i32
    %dma_wait3A_1487 = tpu.memref_slice %arg11[%dma_wait3A_1485, %dma_wait3A_1486] : memref<512x128xf32, #tpu.memory_space<vmem>> -> memref<128x128xf32, #tpu.memory_space<vmem>>
    tpu.wait_dma2 semaphore(%arg14 : memref<!tpu.dma_semaphore, #tpu.memory_space<semaphore_mem>>) src(%dma_wait3A_1487 : memref<128x128xf32, #tpu.memory_space<vmem>>) dst(%dma_wait3A_1484 : memref<128x128xf32, #tpu.memory_space<hbm>>)
    return
  }
}

module attributes {stable_mosaic.version = 14 : i64} {
  func.func @_fuse_tables_body(%arg0: memref<8x32xf32, #tpu.memory_space<vmem>>, %arg1: memref<8x32xf32, #tpu.memory_space<vmem>>, %arg2: memref<8x32xf32, #tpu.memory_space<vmem>>, %arg3: memref<512x128xf32, #tpu.memory_space<vmem>>) attributes {dimension_semantics = [], scalar_prefetch = 0 : i64, scratch_operands = 0 : i64, tpu.core_type = #tpu.core_type<tc>} {
    %iota3A = tpu.iota {dimensions = array<i32: 0>} : vector<512x32xi32>
    %jit3A = arith.constant 64 : i32
    %div3A = vector.broadcast %jit3A : i32 to vector<512x32xi32>
    %div3A_0 = arith.divsi %iota3A, %div3A : vector<512x32xi32>
    %sign3A = arith.constant 0 : i32
    %sign3A_1 = vector.broadcast %sign3A : i32 to vector<512x32xi32>
    %sign3A_2 = arith.cmpi sgt, %iota3A, %sign3A_1 : vector<512x32xi32>
    %sign3A_3 = arith.extui %sign3A_2 : vector<512x32xi1> to vector<512x32xi32>
    %sign3A_4 = arith.constant 0 : i32
    %sign3A_5 = vector.broadcast %sign3A_4 : i32 to vector<512x32xi32>
    %sign3A_6 = arith.cmpi slt, %iota3A, %sign3A_5 : vector<512x32xi32>
    %sign3A_7 = arith.extui %sign3A_6 : vector<512x32xi1> to vector<512x32xi32>
    %sign3A_8 = arith.subi %sign3A_3, %sign3A_7 : vector<512x32xi32>
    %sign3A_9 = arith.constant 0 : i32
    %sign3A_10 = arith.cmpi sgt, %jit3A, %sign3A_9 : i32
    %sign3A_11 = arith.extui %sign3A_10 : i1 to i32
    %sign3A_12 = arith.constant 0 : i32
    %sign3A_13 = arith.cmpi slt, %jit3A, %sign3A_12 : i32
    %sign3A_14 = arith.extui %sign3A_13 : i1 to i32
    %sign3A_15 = arith.subi %sign3A_11, %sign3A_14 : i32
    %ne3A = vector.broadcast %sign3A_15 : i32 to vector<512x32xi32>
    %ne3A_16 = arith.cmpi ne, %sign3A_8, %ne3A : vector<512x32xi32>
    %rem3A = vector.broadcast %jit3A : i32 to vector<512x32xi32>
    %rem3A_17 = arith.remsi %iota3A, %rem3A : vector<512x32xi32>
    %ne3A_18 = arith.constant 0 : i32
    %ne3A_19 = vector.broadcast %ne3A_18 : i32 to vector<512x32xi32>
    %ne3A_20 = arith.cmpi ne, %rem3A_17, %ne3A_19 : vector<512x32xi32>
    %and3A = arith.andi %ne3A_16, %ne3A_20 : vector<512x32xi1>
    %sub3A = arith.constant 1 : i32
    %sub3A_21 = vector.broadcast %sub3A : i32 to vector<512x32xi32>
    %sub3A_22 = arith.subi %div3A_0, %sub3A_21 : vector<512x32xi32>
    %select_n3A = arith.select %and3A, %sub3A_22, %div3A_0 : vector<512x32xi1>, vector<512x32xi32>
    %jit3A_23 = arith.constant 8 : i32
    %div3A_24 = vector.broadcast %jit3A_23 : i32 to vector<512x32xi32>
    %div3A_25 = arith.divsi %iota3A, %div3A_24 : vector<512x32xi32>
    %sign3A_26 = arith.constant 0 : i32
    %sign3A_27 = vector.broadcast %sign3A_26 : i32 to vector<512x32xi32>
    %sign3A_28 = arith.cmpi sgt, %iota3A, %sign3A_27 : vector<512x32xi32>
    %sign3A_29 = arith.extui %sign3A_28 : vector<512x32xi1> to vector<512x32xi32>
    %sign3A_30 = arith.constant 0 : i32
    %sign3A_31 = vector.broadcast %sign3A_30 : i32 to vector<512x32xi32>
    %sign3A_32 = arith.cmpi slt, %iota3A, %sign3A_31 : vector<512x32xi32>
    %sign3A_33 = arith.extui %sign3A_32 : vector<512x32xi1> to vector<512x32xi32>
    %sign3A_34 = arith.subi %sign3A_29, %sign3A_33 : vector<512x32xi32>
    %sign3A_35 = arith.constant 0 : i32
    %sign3A_36 = arith.cmpi sgt, %jit3A_23, %sign3A_35 : i32
    %sign3A_37 = arith.extui %sign3A_36 : i1 to i32
    %sign3A_38 = arith.constant 0 : i32
    %sign3A_39 = arith.cmpi slt, %jit3A_23, %sign3A_38 : i32
    %sign3A_40 = arith.extui %sign3A_39 : i1 to i32
    %sign3A_41 = arith.subi %sign3A_37, %sign3A_40 : i32
    %ne3A_42 = vector.broadcast %sign3A_41 : i32 to vector<512x32xi32>
    %ne3A_43 = arith.cmpi ne, %sign3A_34, %ne3A_42 : vector<512x32xi32>
    %rem3A_44 = vector.broadcast %jit3A_23 : i32 to vector<512x32xi32>
    %rem3A_45 = arith.remsi %iota3A, %rem3A_44 : vector<512x32xi32>
    %ne3A_46 = arith.constant 0 : i32
    %ne3A_47 = vector.broadcast %ne3A_46 : i32 to vector<512x32xi32>
    %ne3A_48 = arith.cmpi ne, %rem3A_45, %ne3A_47 : vector<512x32xi32>
    %and3A_49 = arith.andi %ne3A_43, %ne3A_48 : vector<512x32xi1>
    %sub3A_50 = arith.constant 1 : i32
    %sub3A_51 = vector.broadcast %sub3A_50 : i32 to vector<512x32xi32>
    %sub3A_52 = arith.subi %div3A_25, %sub3A_51 : vector<512x32xi32>
    %select_n3A_53 = arith.select %and3A_49, %sub3A_52, %div3A_25 : vector<512x32xi1>, vector<512x32xi32>
    %jit3A_54 = arith.constant 8 : i32
    %eq3A = arith.constant 0 : i32
    %eq3A_55 = arith.cmpi eq, %jit3A_54, %eq3A : i32
    %jit3A_56 = arith.constant 1 : i32
    %select_n3A_57 = arith.select %eq3A_55, %jit3A_56, %jit3A_54 : i32
    %rem3A_58 = vector.broadcast %select_n3A_57 : i32 to vector<512x32xi32>
    %rem3A_59 = arith.remsi %select_n3A_53, %rem3A_58 : vector<512x32xi32>
    %ne3A_60 = arith.constant 0 : i32
    %ne3A_61 = vector.broadcast %ne3A_60 : i32 to vector<512x32xi32>
    %ne3A_62 = arith.cmpi ne, %rem3A_59, %ne3A_61 : vector<512x32xi32>
    %lt3A = arith.constant 0 : i32
    %lt3A_63 = vector.broadcast %lt3A : i32 to vector<512x32xi32>
    %lt3A_64 = arith.cmpi slt, %rem3A_59, %lt3A_63 : vector<512x32xi32>
    %lt3A_65 = arith.constant 0 : i32
    %lt3A_66 = arith.cmpi slt, %select_n3A_57, %lt3A_65 : i32
    %ne3A_67 = vector.broadcast %lt3A_66 : i1 to vector<512x32xi1>
    %ne3A_68 = vector.broadcast %ne3A_67 : vector<512x32xi1> to vector<512x32xi1>
    %ne3A_69 = arith.xori %lt3A_64, %ne3A_68 : vector<512x32xi1>
    %and3A_70 = arith.andi %ne3A_69, %ne3A_62 : vector<512x32xi1>
    %add3A = vector.broadcast %select_n3A_57 : i32 to vector<512x32xi32>
    %add3A_71 = arith.addi %rem3A_59, %add3A : vector<512x32xi32>
    %select_n3A_72 = arith.select %and3A_70, %add3A_71, %rem3A_59 : vector<512x32xi1>, vector<512x32xi32>
    %jit3A_73 = arith.constant 8 : i32
    %eq3A_74 = arith.constant 0 : i32
    %eq3A_75 = arith.cmpi eq, %jit3A_73, %eq3A_74 : i32
    %jit3A_76 = arith.constant 1 : i32
    %select_n3A_77 = arith.select %eq3A_75, %jit3A_76, %jit3A_73 : i32
    %rem3A_78 = vector.broadcast %select_n3A_77 : i32 to vector<512x32xi32>
    %rem3A_79 = arith.remsi %iota3A, %rem3A_78 : vector<512x32xi32>
    %ne3A_80 = arith.constant 0 : i32
    %ne3A_81 = vector.broadcast %ne3A_80 : i32 to vector<512x32xi32>
    %ne3A_82 = arith.cmpi ne, %rem3A_79, %ne3A_81 : vector<512x32xi32>
    %lt3A_83 = arith.constant 0 : i32
    %lt3A_84 = vector.broadcast %lt3A_83 : i32 to vector<512x32xi32>
    %lt3A_85 = arith.cmpi slt, %rem3A_79, %lt3A_84 : vector<512x32xi32>
    %lt3A_86 = arith.constant 0 : i32
    %lt3A_87 = arith.cmpi slt, %select_n3A_77, %lt3A_86 : i32
    %ne3A_88 = vector.broadcast %lt3A_87 : i1 to vector<512x32xi1>
    %ne3A_89 = vector.broadcast %ne3A_88 : vector<512x32xi1> to vector<512x32xi1>
    %ne3A_90 = arith.xori %lt3A_85, %ne3A_89 : vector<512x32xi1>
    %and3A_91 = arith.andi %ne3A_90, %ne3A_82 : vector<512x32xi1>
    %add3A_92 = vector.broadcast %select_n3A_77 : i32 to vector<512x32xi32>
    %add3A_93 = arith.addi %rem3A_79, %add3A_92 : vector<512x32xi32>
    %select_n3A_94 = arith.select %and3A_91, %add3A_93, %rem3A_79 : vector<512x32xi1>, vector<512x32xi32>
    %broadcast_in_dim3A = arith.constant 0.000000e+00 : f32
    %broadcast_in_dim3A_95 = vector.broadcast %broadcast_in_dim3A : f32 to vector<512x32xf32>
    %broadcast_in_dim3A_96 = arith.constant 0.000000e+00 : f32
    %broadcast_in_dim3A_97 = vector.broadcast %broadcast_in_dim3A_96 : f32 to vector<512x32xf32>
    %broadcast_in_dim3A_98 = arith.constant 0.000000e+00 : f32
    %broadcast_in_dim3A_99 = vector.broadcast %broadcast_in_dim3A_98 : f32 to vector<512x32xf32>
    %eq3A_100 = arith.constant 0 : i32
    %eq3A_101 = vector.broadcast %eq3A_100 : i32 to vector<512x32xi32>
    %eq3A_102 = arith.cmpi eq, %select_n3A, %eq3A_101 : vector<512x32xi32>
    %get3A = arith.constant 0 : index
    %get3A_103 = arith.constant 0 : index
    %get3A_104 = vector.load %arg0[%get3A, %get3A_103] : memref<8x32xf32, #tpu.memory_space<vmem>>, vector<1x32xf32>
    %get3A_105 = vector.shape_cast %get3A_104 : vector<1x32xf32> to vector<32xf32>
    %broadcast_in_dim3A_106 = vector.shape_cast %get3A_105 : vector<32xf32> to vector<1x32xf32>
    %broadcast_in_dim3A_107 = vector.shape_cast %broadcast_in_dim3A_106 : vector<1x32xf32> to vector<1x32xf32>
    %broadcast_in_dim3A_108 = vector.broadcast %broadcast_in_dim3A_107 : vector<1x32xf32> to vector<512x32xf32>
    %select_n3A_109 = arith.select %eq3A_102, %broadcast_in_dim3A_108, %broadcast_in_dim3A_95 : vector<512x32xi1>, vector<512x32xf32>
    %eq3A_110 = arith.constant 0 : i32
    %eq3A_111 = vector.broadcast %eq3A_110 : i32 to vector<512x32xi32>
    %eq3A_112 = arith.cmpi eq, %select_n3A_72, %eq3A_111 : vector<512x32xi32>
    %get3A_113 = arith.constant 0 : index
    %get3A_114 = arith.constant 0 : index
    %get3A_115 = vector.load %arg1[%get3A_113, %get3A_114] : memref<8x32xf32, #tpu.memory_space<vmem>>, vector<1x32xf32>
    %get3A_116 = vector.shape_cast %get3A_115 : vector<1x32xf32> to vector<32xf32>
    %broadcast_in_dim3A_117 = vector.shape_cast %get3A_116 : vector<32xf32> to vector<1x32xf32>
    %broadcast_in_dim3A_118 = vector.shape_cast %broadcast_in_dim3A_117 : vector<1x32xf32> to vector<1x32xf32>
    %broadcast_in_dim3A_119 = vector.broadcast %broadcast_in_dim3A_118 : vector<1x32xf32> to vector<512x32xf32>
    %select_n3A_120 = arith.select %eq3A_112, %broadcast_in_dim3A_119, %broadcast_in_dim3A_97 : vector<512x32xi1>, vector<512x32xf32>
    %eq3A_121 = arith.constant 0 : i32
    %eq3A_122 = vector.broadcast %eq3A_121 : i32 to vector<512x32xi32>
    %eq3A_123 = arith.cmpi eq, %select_n3A_94, %eq3A_122 : vector<512x32xi32>
    %get3A_124 = arith.constant 0 : index
    %get3A_125 = arith.constant 0 : index
    %get3A_126 = vector.load %arg2[%get3A_124, %get3A_125] : memref<8x32xf32, #tpu.memory_space<vmem>>, vector<1x32xf32>
    %get3A_127 = vector.shape_cast %get3A_126 : vector<1x32xf32> to vector<32xf32>
    %broadcast_in_dim3A_128 = vector.shape_cast %get3A_127 : vector<32xf32> to vector<1x32xf32>
    %broadcast_in_dim3A_129 = vector.shape_cast %broadcast_in_dim3A_128 : vector<1x32xf32> to vector<1x32xf32>
    %broadcast_in_dim3A_130 = vector.broadcast %broadcast_in_dim3A_129 : vector<1x32xf32> to vector<512x32xf32>
    %select_n3A_131 = arith.select %eq3A_123, %broadcast_in_dim3A_130, %broadcast_in_dim3A_99 : vector<512x32xi1>, vector<512x32xf32>
    %eq3A_132 = arith.constant 1 : i32
    %eq3A_133 = vector.broadcast %eq3A_132 : i32 to vector<512x32xi32>
    %eq3A_134 = arith.cmpi eq, %select_n3A, %eq3A_133 : vector<512x32xi32>
    %get3A_135 = arith.constant 1 : index
    %get3A_136 = arith.constant 0 : index
    %get3A_137 = vector.load %arg0[%get3A_135, %get3A_136] : memref<8x32xf32, #tpu.memory_space<vmem>>, vector<1x32xf32>
    %get3A_138 = vector.shape_cast %get3A_137 : vector<1x32xf32> to vector<32xf32>
    %broadcast_in_dim3A_139 = vector.shape_cast %get3A_138 : vector<32xf32> to vector<1x32xf32>
    %broadcast_in_dim3A_140 = vector.shape_cast %broadcast_in_dim3A_139 : vector<1x32xf32> to vector<1x32xf32>
    %broadcast_in_dim3A_141 = vector.broadcast %broadcast_in_dim3A_140 : vector<1x32xf32> to vector<512x32xf32>
    %select_n3A_142 = arith.select %eq3A_134, %broadcast_in_dim3A_141, %select_n3A_109 : vector<512x32xi1>, vector<512x32xf32>
    %eq3A_143 = arith.constant 1 : i32
    %eq3A_144 = vector.broadcast %eq3A_143 : i32 to vector<512x32xi32>
    %eq3A_145 = arith.cmpi eq, %select_n3A_72, %eq3A_144 : vector<512x32xi32>
    %get3A_146 = arith.constant 1 : index
    %get3A_147 = arith.constant 0 : index
    %get3A_148 = vector.load %arg1[%get3A_146, %get3A_147] : memref<8x32xf32, #tpu.memory_space<vmem>>, vector<1x32xf32>
    %get3A_149 = vector.shape_cast %get3A_148 : vector<1x32xf32> to vector<32xf32>
    %broadcast_in_dim3A_150 = vector.shape_cast %get3A_149 : vector<32xf32> to vector<1x32xf32>
    %broadcast_in_dim3A_151 = vector.shape_cast %broadcast_in_dim3A_150 : vector<1x32xf32> to vector<1x32xf32>
    %broadcast_in_dim3A_152 = vector.broadcast %broadcast_in_dim3A_151 : vector<1x32xf32> to vector<512x32xf32>
    %select_n3A_153 = arith.select %eq3A_145, %broadcast_in_dim3A_152, %select_n3A_120 : vector<512x32xi1>, vector<512x32xf32>
    %eq3A_154 = arith.constant 1 : i32
    %eq3A_155 = vector.broadcast %eq3A_154 : i32 to vector<512x32xi32>
    %eq3A_156 = arith.cmpi eq, %select_n3A_94, %eq3A_155 : vector<512x32xi32>
    %get3A_157 = arith.constant 1 : index
    %get3A_158 = arith.constant 0 : index
    %get3A_159 = vector.load %arg2[%get3A_157, %get3A_158] : memref<8x32xf32, #tpu.memory_space<vmem>>, vector<1x32xf32>
    %get3A_160 = vector.shape_cast %get3A_159 : vector<1x32xf32> to vector<32xf32>
    %broadcast_in_dim3A_161 = vector.shape_cast %get3A_160 : vector<32xf32> to vector<1x32xf32>
    %broadcast_in_dim3A_162 = vector.shape_cast %broadcast_in_dim3A_161 : vector<1x32xf32> to vector<1x32xf32>
    %broadcast_in_dim3A_163 = vector.broadcast %broadcast_in_dim3A_162 : vector<1x32xf32> to vector<512x32xf32>
    %select_n3A_164 = arith.select %eq3A_156, %broadcast_in_dim3A_163, %select_n3A_131 : vector<512x32xi1>, vector<512x32xf32>
    %eq3A_165 = arith.constant 2 : i32
    %eq3A_166 = vector.broadcast %eq3A_165 : i32 to vector<512x32xi32>
    %eq3A_167 = arith.cmpi eq, %select_n3A, %eq3A_166 : vector<512x32xi32>
    %get3A_168 = arith.constant 2 : index
    %get3A_169 = arith.constant 0 : index
    %get3A_170 = vector.load %arg0[%get3A_168, %get3A_169] : memref<8x32xf32, #tpu.memory_space<vmem>>, vector<1x32xf32>
    %get3A_171 = vector.shape_cast %get3A_170 : vector<1x32xf32> to vector<32xf32>
    %broadcast_in_dim3A_172 = vector.shape_cast %get3A_171 : vector<32xf32> to vector<1x32xf32>
    %broadcast_in_dim3A_173 = vector.shape_cast %broadcast_in_dim3A_172 : vector<1x32xf32> to vector<1x32xf32>
    %broadcast_in_dim3A_174 = vector.broadcast %broadcast_in_dim3A_173 : vector<1x32xf32> to vector<512x32xf32>
    %select_n3A_175 = arith.select %eq3A_167, %broadcast_in_dim3A_174, %select_n3A_142 : vector<512x32xi1>, vector<512x32xf32>
    %eq3A_176 = arith.constant 2 : i32
    %eq3A_177 = vector.broadcast %eq3A_176 : i32 to vector<512x32xi32>
    %eq3A_178 = arith.cmpi eq, %select_n3A_72, %eq3A_177 : vector<512x32xi32>
    %get3A_179 = arith.constant 2 : index
    %get3A_180 = arith.constant 0 : index
    %get3A_181 = vector.load %arg1[%get3A_179, %get3A_180] : memref<8x32xf32, #tpu.memory_space<vmem>>, vector<1x32xf32>
    %get3A_182 = vector.shape_cast %get3A_181 : vector<1x32xf32> to vector<32xf32>
    %broadcast_in_dim3A_183 = vector.shape_cast %get3A_182 : vector<32xf32> to vector<1x32xf32>
    %broadcast_in_dim3A_184 = vector.shape_cast %broadcast_in_dim3A_183 : vector<1x32xf32> to vector<1x32xf32>
    %broadcast_in_dim3A_185 = vector.broadcast %broadcast_in_dim3A_184 : vector<1x32xf32> to vector<512x32xf32>
    %select_n3A_186 = arith.select %eq3A_178, %broadcast_in_dim3A_185, %select_n3A_153 : vector<512x32xi1>, vector<512x32xf32>
    %eq3A_187 = arith.constant 2 : i32
    %eq3A_188 = vector.broadcast %eq3A_187 : i32 to vector<512x32xi32>
    %eq3A_189 = arith.cmpi eq, %select_n3A_94, %eq3A_188 : vector<512x32xi32>
    %get3A_190 = arith.constant 2 : index
    %get3A_191 = arith.constant 0 : index
    %get3A_192 = vector.load %arg2[%get3A_190, %get3A_191] : memref<8x32xf32, #tpu.memory_space<vmem>>, vector<1x32xf32>
    %get3A_193 = vector.shape_cast %get3A_192 : vector<1x32xf32> to vector<32xf32>
    %broadcast_in_dim3A_194 = vector.shape_cast %get3A_193 : vector<32xf32> to vector<1x32xf32>
    %broadcast_in_dim3A_195 = vector.shape_cast %broadcast_in_dim3A_194 : vector<1x32xf32> to vector<1x32xf32>
    %broadcast_in_dim3A_196 = vector.broadcast %broadcast_in_dim3A_195 : vector<1x32xf32> to vector<512x32xf32>
    %select_n3A_197 = arith.select %eq3A_189, %broadcast_in_dim3A_196, %select_n3A_164 : vector<512x32xi1>, vector<512x32xf32>
    %eq3A_198 = arith.constant 3 : i32
    %eq3A_199 = vector.broadcast %eq3A_198 : i32 to vector<512x32xi32>
    %eq3A_200 = arith.cmpi eq, %select_n3A, %eq3A_199 : vector<512x32xi32>
    %get3A_201 = arith.constant 3 : index
    %get3A_202 = arith.constant 0 : index
    %get3A_203 = vector.load %arg0[%get3A_201, %get3A_202] : memref<8x32xf32, #tpu.memory_space<vmem>>, vector<1x32xf32>
    %get3A_204 = vector.shape_cast %get3A_203 : vector<1x32xf32> to vector<32xf32>
    %broadcast_in_dim3A_205 = vector.shape_cast %get3A_204 : vector<32xf32> to vector<1x32xf32>
    %broadcast_in_dim3A_206 = vector.shape_cast %broadcast_in_dim3A_205 : vector<1x32xf32> to vector<1x32xf32>
    %broadcast_in_dim3A_207 = vector.broadcast %broadcast_in_dim3A_206 : vector<1x32xf32> to vector<512x32xf32>
    %select_n3A_208 = arith.select %eq3A_200, %broadcast_in_dim3A_207, %select_n3A_175 : vector<512x32xi1>, vector<512x32xf32>
    %eq3A_209 = arith.constant 3 : i32
    %eq3A_210 = vector.broadcast %eq3A_209 : i32 to vector<512x32xi32>
    %eq3A_211 = arith.cmpi eq, %select_n3A_72, %eq3A_210 : vector<512x32xi32>
    %get3A_212 = arith.constant 3 : index
    %get3A_213 = arith.constant 0 : index
    %get3A_214 = vector.load %arg1[%get3A_212, %get3A_213] : memref<8x32xf32, #tpu.memory_space<vmem>>, vector<1x32xf32>
    %get3A_215 = vector.shape_cast %get3A_214 : vector<1x32xf32> to vector<32xf32>
    %broadcast_in_dim3A_216 = vector.shape_cast %get3A_215 : vector<32xf32> to vector<1x32xf32>
    %broadcast_in_dim3A_217 = vector.shape_cast %broadcast_in_dim3A_216 : vector<1x32xf32> to vector<1x32xf32>
    %broadcast_in_dim3A_218 = vector.broadcast %broadcast_in_dim3A_217 : vector<1x32xf32> to vector<512x32xf32>
    %select_n3A_219 = arith.select %eq3A_211, %broadcast_in_dim3A_218, %select_n3A_186 : vector<512x32xi1>, vector<512x32xf32>
    %eq3A_220 = arith.constant 3 : i32
    %eq3A_221 = vector.broadcast %eq3A_220 : i32 to vector<512x32xi32>
    %eq3A_222 = arith.cmpi eq, %select_n3A_94, %eq3A_221 : vector<512x32xi32>
    %get3A_223 = arith.constant 3 : index
    %get3A_224 = arith.constant 0 : index
    %get3A_225 = vector.load %arg2[%get3A_223, %get3A_224] : memref<8x32xf32, #tpu.memory_space<vmem>>, vector<1x32xf32>
    %get3A_226 = vector.shape_cast %get3A_225 : vector<1x32xf32> to vector<32xf32>
    %broadcast_in_dim3A_227 = vector.shape_cast %get3A_226 : vector<32xf32> to vector<1x32xf32>
    %broadcast_in_dim3A_228 = vector.shape_cast %broadcast_in_dim3A_227 : vector<1x32xf32> to vector<1x32xf32>
    %broadcast_in_dim3A_229 = vector.broadcast %broadcast_in_dim3A_228 : vector<1x32xf32> to vector<512x32xf32>
    %select_n3A_230 = arith.select %eq3A_222, %broadcast_in_dim3A_229, %select_n3A_197 : vector<512x32xi1>, vector<512x32xf32>
    %eq3A_231 = arith.constant 4 : i32
    %eq3A_232 = vector.broadcast %eq3A_231 : i32 to vector<512x32xi32>
    %eq3A_233 = arith.cmpi eq, %select_n3A, %eq3A_232 : vector<512x32xi32>
    %get3A_234 = arith.constant 4 : index
    %get3A_235 = arith.constant 0 : index
    %get3A_236 = vector.load %arg0[%get3A_234, %get3A_235] : memref<8x32xf32, #tpu.memory_space<vmem>>, vector<1x32xf32>
    %get3A_237 = vector.shape_cast %get3A_236 : vector<1x32xf32> to vector<32xf32>
    %broadcast_in_dim3A_238 = vector.shape_cast %get3A_237 : vector<32xf32> to vector<1x32xf32>
    %broadcast_in_dim3A_239 = vector.shape_cast %broadcast_in_dim3A_238 : vector<1x32xf32> to vector<1x32xf32>
    %broadcast_in_dim3A_240 = vector.broadcast %broadcast_in_dim3A_239 : vector<1x32xf32> to vector<512x32xf32>
    %select_n3A_241 = arith.select %eq3A_233, %broadcast_in_dim3A_240, %select_n3A_208 : vector<512x32xi1>, vector<512x32xf32>
    %eq3A_242 = arith.constant 4 : i32
    %eq3A_243 = vector.broadcast %eq3A_242 : i32 to vector<512x32xi32>
    %eq3A_244 = arith.cmpi eq, %select_n3A_72, %eq3A_243 : vector<512x32xi32>
    %get3A_245 = arith.constant 4 : index
    %get3A_246 = arith.constant 0 : index
    %get3A_247 = vector.load %arg1[%get3A_245, %get3A_246] : memref<8x32xf32, #tpu.memory_space<vmem>>, vector<1x32xf32>
    %get3A_248 = vector.shape_cast %get3A_247 : vector<1x32xf32> to vector<32xf32>
    %broadcast_in_dim3A_249 = vector.shape_cast %get3A_248 : vector<32xf32> to vector<1x32xf32>
    %broadcast_in_dim3A_250 = vector.shape_cast %broadcast_in_dim3A_249 : vector<1x32xf32> to vector<1x32xf32>
    %broadcast_in_dim3A_251 = vector.broadcast %broadcast_in_dim3A_250 : vector<1x32xf32> to vector<512x32xf32>
    %select_n3A_252 = arith.select %eq3A_244, %broadcast_in_dim3A_251, %select_n3A_219 : vector<512x32xi1>, vector<512x32xf32>
    %eq3A_253 = arith.constant 4 : i32
    %eq3A_254 = vector.broadcast %eq3A_253 : i32 to vector<512x32xi32>
    %eq3A_255 = arith.cmpi eq, %select_n3A_94, %eq3A_254 : vector<512x32xi32>
    %get3A_256 = arith.constant 4 : index
    %get3A_257 = arith.constant 0 : index
    %get3A_258 = vector.load %arg2[%get3A_256, %get3A_257] : memref<8x32xf32, #tpu.memory_space<vmem>>, vector<1x32xf32>
    %get3A_259 = vector.shape_cast %get3A_258 : vector<1x32xf32> to vector<32xf32>
    %broadcast_in_dim3A_260 = vector.shape_cast %get3A_259 : vector<32xf32> to vector<1x32xf32>
    %broadcast_in_dim3A_261 = vector.shape_cast %broadcast_in_dim3A_260 : vector<1x32xf32> to vector<1x32xf32>
    %broadcast_in_dim3A_262 = vector.broadcast %broadcast_in_dim3A_261 : vector<1x32xf32> to vector<512x32xf32>
    %select_n3A_263 = arith.select %eq3A_255, %broadcast_in_dim3A_262, %select_n3A_230 : vector<512x32xi1>, vector<512x32xf32>
    %eq3A_264 = arith.constant 5 : i32
    %eq3A_265 = vector.broadcast %eq3A_264 : i32 to vector<512x32xi32>
    %eq3A_266 = arith.cmpi eq, %select_n3A, %eq3A_265 : vector<512x32xi32>
    %get3A_267 = arith.constant 5 : index
    %get3A_268 = arith.constant 0 : index
    %get3A_269 = vector.load %arg0[%get3A_267, %get3A_268] : memref<8x32xf32, #tpu.memory_space<vmem>>, vector<1x32xf32>
    %get3A_270 = vector.shape_cast %get3A_269 : vector<1x32xf32> to vector<32xf32>
    %broadcast_in_dim3A_271 = vector.shape_cast %get3A_270 : vector<32xf32> to vector<1x32xf32>
    %broadcast_in_dim3A_272 = vector.shape_cast %broadcast_in_dim3A_271 : vector<1x32xf32> to vector<1x32xf32>
    %broadcast_in_dim3A_273 = vector.broadcast %broadcast_in_dim3A_272 : vector<1x32xf32> to vector<512x32xf32>
    %select_n3A_274 = arith.select %eq3A_266, %broadcast_in_dim3A_273, %select_n3A_241 : vector<512x32xi1>, vector<512x32xf32>
    %eq3A_275 = arith.constant 5 : i32
    %eq3A_276 = vector.broadcast %eq3A_275 : i32 to vector<512x32xi32>
    %eq3A_277 = arith.cmpi eq, %select_n3A_72, %eq3A_276 : vector<512x32xi32>
    %get3A_278 = arith.constant 5 : index
    %get3A_279 = arith.constant 0 : index
    %get3A_280 = vector.load %arg1[%get3A_278, %get3A_279] : memref<8x32xf32, #tpu.memory_space<vmem>>, vector<1x32xf32>
    %get3A_281 = vector.shape_cast %get3A_280 : vector<1x32xf32> to vector<32xf32>
    %broadcast_in_dim3A_282 = vector.shape_cast %get3A_281 : vector<32xf32> to vector<1x32xf32>
    %broadcast_in_dim3A_283 = vector.shape_cast %broadcast_in_dim3A_282 : vector<1x32xf32> to vector<1x32xf32>
    %broadcast_in_dim3A_284 = vector.broadcast %broadcast_in_dim3A_283 : vector<1x32xf32> to vector<512x32xf32>
    %select_n3A_285 = arith.select %eq3A_277, %broadcast_in_dim3A_284, %select_n3A_252 : vector<512x32xi1>, vector<512x32xf32>
    %eq3A_286 = arith.constant 5 : i32
    %eq3A_287 = vector.broadcast %eq3A_286 : i32 to vector<512x32xi32>
    %eq3A_288 = arith.cmpi eq, %select_n3A_94, %eq3A_287 : vector<512x32xi32>
    %get3A_289 = arith.constant 5 : index
    %get3A_290 = arith.constant 0 : index
    %get3A_291 = vector.load %arg2[%get3A_289, %get3A_290] : memref<8x32xf32, #tpu.memory_space<vmem>>, vector<1x32xf32>
    %get3A_292 = vector.shape_cast %get3A_291 : vector<1x32xf32> to vector<32xf32>
    %broadcast_in_dim3A_293 = vector.shape_cast %get3A_292 : vector<32xf32> to vector<1x32xf32>
    %broadcast_in_dim3A_294 = vector.shape_cast %broadcast_in_dim3A_293 : vector<1x32xf32> to vector<1x32xf32>
    %broadcast_in_dim3A_295 = vector.broadcast %broadcast_in_dim3A_294 : vector<1x32xf32> to vector<512x32xf32>
    %select_n3A_296 = arith.select %eq3A_288, %broadcast_in_dim3A_295, %select_n3A_263 : vector<512x32xi1>, vector<512x32xf32>
    %eq3A_297 = arith.constant 6 : i32
    %eq3A_298 = vector.broadcast %eq3A_297 : i32 to vector<512x32xi32>
    %eq3A_299 = arith.cmpi eq, %select_n3A, %eq3A_298 : vector<512x32xi32>
    %get3A_300 = arith.constant 6 : index
    %get3A_301 = arith.constant 0 : index
    %get3A_302 = vector.load %arg0[%get3A_300, %get3A_301] : memref<8x32xf32, #tpu.memory_space<vmem>>, vector<1x32xf32>
    %get3A_303 = vector.shape_cast %get3A_302 : vector<1x32xf32> to vector<32xf32>
    %broadcast_in_dim3A_304 = vector.shape_cast %get3A_303 : vector<32xf32> to vector<1x32xf32>
    %broadcast_in_dim3A_305 = vector.shape_cast %broadcast_in_dim3A_304 : vector<1x32xf32> to vector<1x32xf32>
    %broadcast_in_dim3A_306 = vector.broadcast %broadcast_in_dim3A_305 : vector<1x32xf32> to vector<512x32xf32>
    %select_n3A_307 = arith.select %eq3A_299, %broadcast_in_dim3A_306, %select_n3A_274 : vector<512x32xi1>, vector<512x32xf32>
    %eq3A_308 = arith.constant 6 : i32
    %eq3A_309 = vector.broadcast %eq3A_308 : i32 to vector<512x32xi32>
    %eq3A_310 = arith.cmpi eq, %select_n3A_72, %eq3A_309 : vector<512x32xi32>
    %get3A_311 = arith.constant 6 : index
    %get3A_312 = arith.constant 0 : index
    %get3A_313 = vector.load %arg1[%get3A_311, %get3A_312] : memref<8x32xf32, #tpu.memory_space<vmem>>, vector<1x32xf32>
    %get3A_314 = vector.shape_cast %get3A_313 : vector<1x32xf32> to vector<32xf32>
    %broadcast_in_dim3A_315 = vector.shape_cast %get3A_314 : vector<32xf32> to vector<1x32xf32>
    %broadcast_in_dim3A_316 = vector.shape_cast %broadcast_in_dim3A_315 : vector<1x32xf32> to vector<1x32xf32>
    %broadcast_in_dim3A_317 = vector.broadcast %broadcast_in_dim3A_316 : vector<1x32xf32> to vector<512x32xf32>
    %select_n3A_318 = arith.select %eq3A_310, %broadcast_in_dim3A_317, %select_n3A_285 : vector<512x32xi1>, vector<512x32xf32>
    %eq3A_319 = arith.constant 6 : i32
    %eq3A_320 = vector.broadcast %eq3A_319 : i32 to vector<512x32xi32>
    %eq3A_321 = arith.cmpi eq, %select_n3A_94, %eq3A_320 : vector<512x32xi32>
    %get3A_322 = arith.constant 6 : index
    %get3A_323 = arith.constant 0 : index
    %get3A_324 = vector.load %arg2[%get3A_322, %get3A_323] : memref<8x32xf32, #tpu.memory_space<vmem>>, vector<1x32xf32>
    %get3A_325 = vector.shape_cast %get3A_324 : vector<1x32xf32> to vector<32xf32>
    %broadcast_in_dim3A_326 = vector.shape_cast %get3A_325 : vector<32xf32> to vector<1x32xf32>
    %broadcast_in_dim3A_327 = vector.shape_cast %broadcast_in_dim3A_326 : vector<1x32xf32> to vector<1x32xf32>
    %broadcast_in_dim3A_328 = vector.broadcast %broadcast_in_dim3A_327 : vector<1x32xf32> to vector<512x32xf32>
    %select_n3A_329 = arith.select %eq3A_321, %broadcast_in_dim3A_328, %select_n3A_296 : vector<512x32xi1>, vector<512x32xf32>
    %eq3A_330 = arith.constant 7 : i32
    %eq3A_331 = vector.broadcast %eq3A_330 : i32 to vector<512x32xi32>
    %eq3A_332 = arith.cmpi eq, %select_n3A, %eq3A_331 : vector<512x32xi32>
    %get3A_333 = arith.constant 7 : index
    %get3A_334 = arith.constant 0 : index
    %get3A_335 = vector.load %arg0[%get3A_333, %get3A_334] : memref<8x32xf32, #tpu.memory_space<vmem>>, vector<1x32xf32>
    %get3A_336 = vector.shape_cast %get3A_335 : vector<1x32xf32> to vector<32xf32>
    %broadcast_in_dim3A_337 = vector.shape_cast %get3A_336 : vector<32xf32> to vector<1x32xf32>
    %broadcast_in_dim3A_338 = vector.shape_cast %broadcast_in_dim3A_337 : vector<1x32xf32> to vector<1x32xf32>
    %broadcast_in_dim3A_339 = vector.broadcast %broadcast_in_dim3A_338 : vector<1x32xf32> to vector<512x32xf32>
    %select_n3A_340 = arith.select %eq3A_332, %broadcast_in_dim3A_339, %select_n3A_307 : vector<512x32xi1>, vector<512x32xf32>
    %eq3A_341 = arith.constant 7 : i32
    %eq3A_342 = vector.broadcast %eq3A_341 : i32 to vector<512x32xi32>
    %eq3A_343 = arith.cmpi eq, %select_n3A_72, %eq3A_342 : vector<512x32xi32>
    %get3A_344 = arith.constant 7 : index
    %get3A_345 = arith.constant 0 : index
    %get3A_346 = vector.load %arg1[%get3A_344, %get3A_345] : memref<8x32xf32, #tpu.memory_space<vmem>>, vector<1x32xf32>
    %get3A_347 = vector.shape_cast %get3A_346 : vector<1x32xf32> to vector<32xf32>
    %broadcast_in_dim3A_348 = vector.shape_cast %get3A_347 : vector<32xf32> to vector<1x32xf32>
    %broadcast_in_dim3A_349 = vector.shape_cast %broadcast_in_dim3A_348 : vector<1x32xf32> to vector<1x32xf32>
    %broadcast_in_dim3A_350 = vector.broadcast %broadcast_in_dim3A_349 : vector<1x32xf32> to vector<512x32xf32>
    %select_n3A_351 = arith.select %eq3A_343, %broadcast_in_dim3A_350, %select_n3A_318 : vector<512x32xi1>, vector<512x32xf32>
    %eq3A_352 = arith.constant 7 : i32
    %eq3A_353 = vector.broadcast %eq3A_352 : i32 to vector<512x32xi32>
    %eq3A_354 = arith.cmpi eq, %select_n3A_94, %eq3A_353 : vector<512x32xi32>
    %get3A_355 = arith.constant 7 : index
    %get3A_356 = arith.constant 0 : index
    %get3A_357 = vector.load %arg2[%get3A_355, %get3A_356] : memref<8x32xf32, #tpu.memory_space<vmem>>, vector<1x32xf32>
    %get3A_358 = vector.shape_cast %get3A_357 : vector<1x32xf32> to vector<32xf32>
    %broadcast_in_dim3A_359 = vector.shape_cast %get3A_358 : vector<32xf32> to vector<1x32xf32>
    %broadcast_in_dim3A_360 = vector.shape_cast %broadcast_in_dim3A_359 : vector<1x32xf32> to vector<1x32xf32>
    %broadcast_in_dim3A_361 = vector.broadcast %broadcast_in_dim3A_360 : vector<1x32xf32> to vector<512x32xf32>
    %select_n3A_362 = arith.select %eq3A_354, %broadcast_in_dim3A_361, %select_n3A_329 : vector<512x32xi1>, vector<512x32xf32>
    %broadcast_in_dim3A_363 = arith.constant 0.000000e+00 : f32
    %broadcast_in_dim3A_364 = vector.broadcast %broadcast_in_dim3A_363 : f32 to vector<512x32xf32>
    %concatenate3A = tpu.concatenate %select_n3A_340, %select_n3A_351, %select_n3A_362, %broadcast_in_dim3A_364 in 1 : vector<512x32xf32>, vector<512x32xf32>, vector<512x32xf32>, vector<512x32xf32> -> vector<512x128xf32>
    %swap3A = arith.constant 0 : index
    %swap3A_365 = arith.constant 0 : index
    %swap3A_366 = vector.load %arg3[%swap3A, %swap3A_365] : memref<512x128xf32, #tpu.memory_space<vmem>>, vector<512x128xf32>
    tpu.vector_store %arg3[%swap3A, %swap3A_365], %concatenate3A {strides = array<i32>} : memref<512x128xf32, #tpu.memory_space<vmem>>, vector<512x128xf32>,
    return
  }
}

</mosaic_0001>

<sc_bundles>
// kernel: kernel.4.cloned.1.call-start
scs
__scs_entry_jumppad:
0x0: {  	(pc) =	sbr.rel $0x88, $3  }
0x1: {  	(tag) =	ssettag $0x0;
	lr =	simm.s32 $0x1  }
0x2: {  	[smem:$0x3F9B] =	sst lr;
	_ =	strace $0xD0000000  }
0x3: {  	_ = 	snop  }
0x4: {  	_ = 	snop  }
0x5: {  	_ = 	snop  }
0x6: {  	_ = 	snop  }
0x7: {  	_ = 	snop  }
__scs_overlays_trampoline_lowered:
0x8: {  	[smem:$0x3FAA] =	sst s0  }
0x9: {  	[smem:$0x3FAB] =	sst s1  }
0xa: {  	[smem:$0x3FAC] =	sst s2  }
0xb: {  	[smem:$0x3FAD] =	sst s3  }
0xc: {  	[smem:$0x3FAE] =	sst s4  }
0xd: {  	[smem:$0x3FAF] =	sst s5  }
0xe: {  	[smem:$0x3FB0] =	sst s6  }
0xf: {  	[smem:$0x3FB1] =	sst s7  }
0x10: {  	[smem:$0x3FB2] =	sst s8  }
0x11: {  	[smem:$0x3FB3] =	sst s9;
	s0 =	simm.s32 @!p0 $0x0  }
0x12: {  	s1 =	sld [smem:$0x3F99];
	s0 =	simm.s32 @p0 $0x1  }
0x13: {  	[smem:$0x3FB4] =	sst s0;
	s0 =	simm.s32 @!p1 $0x0  }
0x14: {  	s2 =	sld [smem:$0x3F98];
	s0 =	simm.s32 @p1 $0x1  }
0x15: {  	[smem:$0x3FB5] =	sst s0;
	s0 =	simm.s32 @!p2 $0x0  }
0x16: {  	s3 =	sld [smem:$0x3FDB];
	s0 =	simm.s32 @p2 $0x1  }
0x17: {  	s4 =	simm.s32 $0x1BF5;
	[smem:$0x3FB7] =	sst s0  }
0x18: {  	s0 =	sld [smem:$0x3F9A];
	_ =	swait.ge [sflag:s4], $0x0  }
0x19: {  	s7 =	sld [smem:$0x3F9B]  }
0x1a: {  	s8 =	sadd.s32 $0xFFFFE003, lr  }
0x1b: {  	s9 =	sadd.s32 $0xFFFFFEF7, lr;
	s5 =	simm.s32 $0xFFFFFFFF;
	p2 =	slt.u32 s8, $0xFFFFF086  }
0x1c: {  	p1 =	slt.u32 s9, $0xF7A;
	s5 =	simm.s32 @!p2 $0x0  }
0x1d: {  	s5 =	simm.s32 @p1 $0x1;
	p0 =	seq.s32 s7, s2  }
0x1e: {  	s7 =	smul.u32 @!p0 $0xF7A, s2;
	p2 =	seq.s32 @!p0 s5, $0x0  }
0x1f: {  	s9 =	smul.u32 $0xF7A, s1;
	s8 =	simm.s32 @!p0 $0x1BF5;
	p2 =	por !p2, p0  }
0x20: {  	[sflag:s8] =	ssyncset.s32 @!p0 $0xFFFFF086;
	s6 =	sadd.s32 @!p0 s3, s7;
	s7 =	simm.s32 @!p0 $0x108  }
0x21: {  	s3 =	sadd.s32 s3, s9;
	s6 =	sadd.s32 @!p0 $0x88, s6;
	s7 =	simm.s32 @p2 $0x1082  }
0x22: {  	[simem:s7], [sflag:s8] =	dma.local @!p0 [hbm:s6], $0xF7A  }
0x23: {  	s9 =	sor.u32 $0xD0000000, s2;
	s6 =	simm.s32 $0x108;
	_ =	swait.ge @!p0 [sflag:s8], $0x0  }
0x24: {  	s3 =	sadd.s32 $0x88, s3;
	s6 =	simm.s32 @!p1 $0x1082;
	[sflag:s4] =	ssyncset.s32 $0xFFFFF086  }
0x25: {  	[simem:s6], [sflag:s4] =	dma.local [hbm:s3], $0xF7A  }
0x26: {  	[smem:$0x3F9B] =	sst s1;
	(tag) =	ssettag s2;
	_ =	strace s9  }
0x27: {  	s1 =	sld [smem:$0x3FAB]  }
0x28: {  	s2 =	sld [smem:$0x3FAC]  }
0x29: {  	s4 =	sld [smem:$0x3FAE]  }
0x2a: {  	p0 =	seq.s32 s5, $0x0;
	s5 =	sld [smem:$0x3FAF]  }
0x2b: {  	s6 =	sld [smem:$0x3FB0]  }
0x2c: {  	s7 =	sld [smem:$0x3FB1]  }
0x2d: {  	s3 =	simm.s32 $0x108;
	s8 =	sld [smem:$0x3FB2]  }
0x2e: {  	s3 =	simm.s32 @!p0 $0x1082;
	s9 =	sld [smem:$0x3FB3]  }
0x2f: {  	lr =	sadd.s32 s0, s3;
	s0 =	sld [smem:$0x3FAA]  }
0x30: {  	s3 =	sld [smem:$0x3FAD]  }
0x31: {  	[smem:$0x3FB6] =	sst s10  }
0x32: {  	s10 =	sld [smem:$0x3FB4];
	_ =	sdelay $0x3  }
0x33: {  	p0 =	seq.s32 s10, $0x1;
	s10 =	sld [smem:$0x3FB6];
	_ =	sdelay $0x3  }
0x34: {  	[smem:$0x3FB6] =	sst s10  }
0x35: {  	s10 =	sld [smem:$0x3FB5];
	_ =	sdelay $0x3  }
0x36: {  	p1 =	seq.s32 s10, $0x1;
	s10 =	sld [smem:$0x3FB6];
	_ =	sdelay $0x3  }
0x37: {  	[smem:$0x3FB6] =	sst s10  }
0x38: {  	s10 =	sld [smem:$0x3FB7]  }
0x39: {  	_ = 	snop;
	(pc) =	sbr.ind lr, $3  }
0x3a: {  	_ = 	snop  }
0x3b: {  	_ = 	snop  }
0x3c: {  	p2 =	seq.s32 s10, $0x1;
	s10 =	sld [smem:$0x3FB6]  }
0x3d: {  	_ =	shalt  }
0x3e: {  	_ =	shalt  }
0x3f: {  	_ =	shalt  }
0x40: {  	_ =	shalt  }
0x41: {  	_ =	shalt  }
0x42: {  	_ =	shalt  }
0x43: {  	_ =	shalt  }
0x44: {  	_ =	shalt  }
0x45: {  	_ =	shalt  }
0x46: {  	_ =	shalt  }
0x47: {  	_ =	shalt  }
0x48: {  	_ =	shalt  }
0x49: {  	_ =	shalt  }
0x4a: {  	_ =	shalt  }
0x4b: {  	_ =	shalt  }
0x4c: {  	_ =	shalt  }
0x4d: {  	_ =	shalt  }
0x4e: {  	_ =	shalt  }
0x4f: {  	_ =	shalt  }
0x50: {  	_ =	shalt  }
0x51: {  	_ =	shalt  }
0x52: {  	_ =	shalt  }
0x53: {  	_ =	shalt  }
0x54: {  	_ =	shalt  }
0x55: {  	_ =	shalt  }
0x56: {  	_ =	shalt  }
0x57: {  	_ =	shalt  }
0x58: {  	_ =	shalt  }
0x59: {  	_ =	shalt  }
0x5a: {  	_ =	shalt  }
0x5b: {  	_ =	shalt  }
0x5c: {  	_ =	shalt  }
0x5d: {  	_ =	shalt  }
0x5e: {  	_ =	shalt  }
0x5f: {  	_ =	shalt  }
0x60: {  	_ =	shalt  }
0x61: {  	_ =	shalt  }
0x62: {  	_ =	shalt  }
0x63: {  	_ =	shalt  }
0x64: {  	_ =	shalt  }
0x65: {  	_ =	shalt  }
0x66: {  	_ =	shalt  }
0x67: {  	_ =	shalt  }
0x68: {  	_ =	shalt  }
0x69: {  	_ =	shalt  }
0x6a: {  	_ =	shalt  }
0x6b: {  	_ =	shalt  }
0x6c: {  	_ =	shalt  }
0x6d: {  	_ =	shalt  }
0x6e: {  	_ =	shalt  }
0x6f: {  	_ =	shalt  }
0x70: {  	_ =	shalt  }
0x71: {  	_ =	shalt  }
0x72: {  	_ =	shalt  }
0x73: {  	_ =	shalt  }
0x74: {  	_ =	shalt  }
0x75: {  	_ =	shalt  }
0x76: {  	_ =	shalt  }
0x77: {  	_ =	shalt  }
0x78: {  	_ =	shalt  }
0x79: {  	_ =	shalt  }
0x7a: {  	_ =	shalt  }
0x7b: {  	_ =	shalt  }
0x7c: {  	_ =	shalt  }
0x7d: {  	_ =	shalt  }
0x7e: {  	_ =	shalt  }
0x7f: {  	_ =	shalt  }
0x80: {  	_ =	shalt  }
0x81: {  	_ =	shalt  }
0x82: {  	_ =	shalt  }
0x83: {  	_ =	shalt  }
0x84: {  	_ =	shalt  }
0x85: {  	_ =	shalt  }
0x86: {  	_ =	shalt  }
0x87: {  	_ =	shalt  }
.Lfunc_end0:
.L_simem_size_0:
called_computation_lowered:
.L_overlay_start_0:
0x88: {  	s2 =	sld [smem:$0x3FD9]  }
0x89: {  	s3 =	sld [smem:$0x3FFE];
	_ =	sdelay $0x1  }
0x8a: {  	s1 =	srdreg.scid  }
0x8b: {  	s0 =	sand.u32 $0x1, s1  }
0x8c: {  	s17 =	sshll.u32 s0, $0xA;
	s2 =	sadd.s32 s3, s2  }
0x8d: {  	s2 =	sadd.s32 s2, s17  }
0x8e: {  	[smem:$0x3FC2] =	sst s2  }
0x8f: {  	_ = 	snop  }
0x90: {  	s2 =	sld [smem:$0x3FC9]  }
0x91: {  	s18 =	sld [smem:$0x3FC8]  }
0x92: {  	s4 =	sld [smem:$0x3FC7]  }
0x93: {  	s5 =	sld [smem:$0x3FD0];
	(tm) =	ssettm $0x1  }
0x94: {  	s6 =	sld [smem:$0x3FFB];
	_ =	sdelay $0x3  }
0x95: {  	_ =	strace s6  }
0x96: {  	s6 =	sld [smem:$0x3FFC];
	_ =	sdelay $0x3  }
0x97: {  	_ =	strace s6  }
0x98: {  	s6 =	sld [smem:$0x3FFD];
	_ =	sdelay $0x3  }
0x99: {  	_ =	strace s6  }
0x9a: {  	_ =	strace $0x8FFFFFFF  }
0x9b: {  	s19 =	sld [smem:$0x3FDB];
	_ =	sdelay $0x1  }
0x9c: {  	s7 =	simm.s32 $_scs_section_size  }
0x9d: {  	s8 =	simm.s32 $_size__tile_overlayer_lowered;
	s9 =	simm.s32 $_tile_overlayer_lowered  }
0x9e: {  	s22 =	simm.s32 $0x1BFF;
	s21 =	sshll.u32 s9, $0x1;
	s6 =	sadd.s32 s7, s19  }
0x9f: {  	s10 =	simm.s32 $0x0;
	s20 =	sshll.u32 s8, $0x1;
	s8 =	sadd.s32 s21, s6  }
0xa0: {  	[timem:s10], [sflag:s22] =	dma.local [hbm:s8], s20  }
0xa1: {  	_ =	swait.ge [sflag:s22], s20  }
0xa2: {  	s7 =	ssub.s32 $0x0, s20;
	[sflag:s22] =	ssyncset.done $0x0  }
0xa3: {  	[sflag:s22] =	ssyncadd.s32 s7;
	_ =	sdelay $0x1  }
0xa4: {  	s23 =	simm.s32 $0x1B8B  }
0xa5: {  	_ =	swait.ge [sflag:s23], $0x1  }
0xa6: {  	[sflag:s23] =	ssyncset.done $0x0  }
0xa7: {  	s25 =	simm.s32 $0x1B8E;
	s24 =	sld [smem:$0x3FFE];
	[sflag:s23] =	ssyncadd.s32 $0xFFFFFFFF  }
0xa8: {  	s26 =	simm.s32 $execute0_lowered;
	[smem:$0x3FD2] =	sst s25  }
0xa9: {  	s8 =	sshll.u32 s26, $0x1;
	_ =	strace $0x80000046;
	[dreg:$0x1] =	wrdreg $0xFFFFFFFF  }
0xaa: {  	s28 =	simm.s32 $_size_execute0_lowered;
	s6 =	sadd.s32 s6, s8;
	[dreg:$0x0] =	wrdreg $0x0  }
0xab: {  	s8 =	sshll.u32 s28, $0x1;
	[dreg:$0x2] =	wrdreg s6  }
0xac: {  	[dreg:$0x3] =	wrdreg s8  }
0xad: {  	[dreg:$0x4] =	wrdreg $0xC0  }
0xae: {  	_ =	task [dreg:s10], $0x5FFFF  }
0xaf: {  	[dreg:$0x1] =	wrdreg $0xFFFFFFFF  }
0xb0: {  	[dreg:$0x0] =	wrdreg $0x60  }
0xb1: {  	[dreg:$0x2] =	wrdreg s5  }
0xb2: {  	[dreg:$0x3] =	wrdreg s2  }
0xb3: {  	[dreg:$0x4] =	wrdreg s18  }
0xb4: {  	[dreg:$0x5] =	wrdreg s4  }
0xb5: {  	[dreg:$0x6] =	wrdreg s24  }
0xb6: {  	[dreg:$0x7] =	wrdreg $0x9  }
0xb7: {  	_ =	task.clear_ibuf [dreg:s10], $0x8FFFF;
	_ =	strace $0x90000046  }
0xb8: {  	s29 =	simm.s32 $0x9;
	_ =	strace $0x80000048  }
0xb9: {  	_ =	swait.ge [sflag:s29], $0x1  }
0xba: {  	[sflag:s29] =	ssyncadd.s32 $0xFFFFFFFF  }
0xbb: {  	_ =	strace $0x90000048  }
0xbc: {  	_ =	sfence  }
0xbd: {  	s30 =	sld [smem:$0x0];
	_ =	sdelay $0x2  }
0xbe: {  	s31 =	sshll.u32 s1, $0xD;
	s1 =	sshrl.u32 s1, $0x2  }
0xbf: {  	s3 =	sand.u32 $0x4000, s31;
	s1 =	sadd.s32 s1, s30  }
0xc0: {  	s0 =	sor.u32 s3, s0;
	s1 =	sshll.u32 s1, $0x11  }
0xc1: {  	s0 =	sor.u32 s1, s0  }
0xc2: {  	s0 =	sadd.s32 $0x8F2B, s0  }
0xc3: {  	[sflag:s0] =	ssyncadd.remote.s32 $0x1  }
0xc4: {  	_ =	sfence.sel $0xFFFF  }
0xc5: {  	[dreg:$0x0] =	wrdreg $0xFFFFFFFF;
	(pc) =	sbr.abs _section_cstart, $3  }
0xc6: {  	[dreg:$0x1] =	wrdreg $0xFFFFFFFF  }
0xc7: {  	_ =	task.clear_ibuf [dreg:s10], $0x2FFFF;
	_ =	strace $0x9FFFFFFF  }
0xc8: {  	(tm) =	ssettm $0x7FFFFFFF  }
0xc9: {  	_ =	shalt  }
tec
execute0_lowered:
.L_overlay_start_1:
0x0: {  	(tag) =	ssettag $0x1  }
0x1: {  	s1 =	rddreg [dreg:$0x0]  }
0x2: {  	s4 =	rddreg [dreg:$0x1]  }
0x3: {  	s5 =	rddreg [dreg:$0x2]  }
0x4: {  	s6 =	rddreg [dreg:$0x3]  }
0x5: {  	s7 =	rddreg [dreg:$0x4]  }
0x6: {  	s0 =	rddreg [dreg:$0x5];
	s8 =	srdreg.scid  }
0x7: {  	s3 =	simm.s32 $0x0;
	s2 =	stileid.u32;
	s12 =	simm.s32 $0x200  }
0x8: {  	s13 =	simm.s32 $0x400;
	s14 =	simm.s32 $0x1;
	s15 =	simm.s32 $0x80  }
0x9: {  	s16 =	simm.s32 $0x600;
	s17 =	simm.s32 $0x800;
	s18 =	simm.s32 $0x680  }
0xa: {  	s19 =	simm.s32 $0x4800;
	s20 =	simm.s32 $0x700;
	s21 =	simm.s32 $0x8800  }
0xb: {  	s22 =	simm.s32 $0x780;
	s23 =	simm.s32 $0xC800;
	s24 =	simm.s32 $0x2  }
0xc: {  	s25 =	simm.s32 $0x3;
	s8 =	sand.u32 $0x1, s8;
	[smem:$0x7FF] =	sst s3  }
0xd: {  	s9 =	sshll.u32 s2, $0xA;
	s10 =	sshll.u32 s8, $0x9;
	s8 =	ssub.s32 $0x2, s8  }
0xe: {  	_ =	strace $0x80000047;
	s9 =	sor.u32 s10, s9;
	s11 =	sshrl.u32 s8, $0x1  }
0xf: {  	s10 =	sshll.u32 s9, $0x4;
	s9 =	sshrl.u32 s9, $0x3;
	s11 =	ssub.s32 s8, s11  }
0x10: {  	s10 =	sadd.s32 s10, s7;
	s4 =	sadd.s32 s4, s9;
	s5 =	sadd.s32 s5, s9  }
0x11: {  	s6 =	sadd.s32 s6, s9;
	s11 =	smax.u32 s11, $0x1;
	s7 =	sadd.s32 $0xC00, s10  }
0x12: {  	s8 =	sadd.s32 $0x1400, s10;
	s9 =	sadd.s32 $0x1C00, s10;
	s10 =	sadd.s32 $0x2400, s10  }
.LBB2_1:
0x13: {  	[tilespmem:s3], [sflag:$0x1] =	stream.linear.gather [hbm4b:s4+s3], $0x200, $0x38;
	[tilespmem:$0x10800] =	vst v63  }
0x14: {  	_ = 	snop  }
0x15: {  	[tilespmem:s12], [sflag:$0x1] =	stream.linear.gather [hbm4b:s5+s3], $0x200, $0x38;
	[tilespmem:$0x10800] =	vst v63  }
0x16: {  	_ = 	snop  }
0x17: {  	[tilespmem:s13], [sflag:$0x1] =	stream.linear.gather [hbm4b:s6+s3], $0x200, $0x38;
	[tilespmem:$0x10800] =	vst v63  }
0x18: {  	_ =	swait.ge [sflag:s14], $0x200  }
0x19: {  	[sflag:s14] =	ssyncset.done $0x0  }
0x1a: {  	[sflag:s14] =	ssyncadd.s32 $0xFFFFFE00  }
0x1b: {  	_ =	swait.ge [sflag:s14], $0x200  }
0x1c: {  	[sflag:s14] =	ssyncset.done $0x0  }
0x1d: {  	[sflag:s14] =	ssyncadd.s32 $0xFFFFFE00  }
0x1e: {  	_ =	swait.ge [sflag:s14], $0x200  }
0x1f: {  	[sflag:s14] =	ssyncset.done $0x0  }
0x20: {  	[sflag:s14] =	ssyncadd.s32 $0xFFFFFE00  }
0x21: {  	v0 =	vld [tilespmem:$0x0]  }
0x22: {  	v1 =	vld [tilespmem:$0x200]  }
0x23: {  	v2 =	vld [tilespmem:$0x400]  }
0x24: {  	v3 =	vld [tilespmem:$0x10]  }
0x25: {  	v4 =	vld [tilespmem:$0x210]  }
0x26: {  	v5 =	vld [tilespmem:$0x410]  }
0x27: {  	v6 =	vld [tilespmem:$0x20]  }
0x28: {  	v7 =	vld [tilespmem:$0x220]  }
0x29: {  	v58 =	vld [tilespmem:$0x420]  }
0x2a: {  	v8 =	vld [tilespmem:$0x30]  }
0x2b: {  	v60 =	vld [tilespmem:$0x230]  }
0x2c: {  	v63 =	vld [tilespmem:$0x430]  }
0x2d: {  	v12 =	vld [tilespmem:$0x40]  }
0x2e: {  	v9 =	vld [tilespmem:$0x240]  }
0x2f: {  	v13 =	vld [tilespmem:$0x440];
	vm0 =	vgt.s32 v0, $0x0  }
0x30: {  	v15 =	vld [tilespmem:$0x50];
	vm6 =	vgt.s32 v1, $0x0;
	vm1 =	vgt.s32 v2, $0x0;
	vm7 =	vgt.s32 v3, $0x0  }
0x31: {  	v10 =	vld [tilespmem:$0x250];
	vm8 =	vgt.s32 v4, $0x0;
	vm9 =	vgt.s32 v5, $0x0;
	vm10 =	vgt.s32 v6, $0x0  }
0x32: {  	v17 =	vld [tilespmem:$0x450];
	vm11 =	vgt.s32 v7, $0x0;
	vm12 =	vgt.s32 v58, $0x0;
	vm13 =	vgt.s32 v8, $0x0  }
0x33: {  	v19 =	vld [tilespmem:$0x60];
	vm14 =	vgt.s32 v60, $0x0;
	vm15 =	vgt.s32 v63, $0x0;
	vm4 =	vgt.s32 v12, $0x0  }
0x34: {  	v11 =	vld [tilespmem:$0x260];
	vm5 =	vgt.s32 v9, $0x0;
	v0 =	vnsel vm0, $0x0, v0;
	v1 =	vnsel vm6, $0x0, v1  }
0x35: {  	v25 =	vld [tilespmem:$0x470];
	v2 =	vnsel vm1, $0x0, v2;
	v56 =	vnsel vm7, $0x0, v3;
	v57 =	vnsel vm8, $0x0, v4  }
0x36: {  	v5 =	vnsel vm9, $0x0, v5;
	v61 =	vnsel vm10, $0x0, v6;
	v62 =	vnsel vm11, $0x0, v7  }
0x37: {  	v4 =	vnsel vm12, $0x0, v58;
	v14 =	vnsel vm13, $0x0, v8;
	v6 =	vnsel vm15, $0x0, v63  }
0x38: {  	v16 =	vnsel vm4, $0x0, v12;
	vm6 =	vgt.s32 v13, $0x0;
	v18 =	vnsel vm5, $0x0, v9  }
0x39: {  	vm7 =	vgt.s32 v15, $0x0;
	vm8 =	vgt.s32 v10, $0x0;
	vm9 =	vgt.s32 v17, $0x0  }
0x3a: {  	vm10 =	vgt.s32 v19, $0x0;
	vm11 =	vgt.s32 v11, $0x0;
	vm15 =	vgt.s32 v25, $0x0  }
0x3b: {  	v0 =	vmin.u32 v0, $0x7;
	v1 =	vmin.u32 v1, $0x7;
	v2 =	vmin.u32 v2, $0x7  }
0x3c: {  	v3 =	vmin.u32 v57, $0x7;
	v59 =	vmin.u32 v5, $0x7;
	v5 =	vmin.u32 v62, $0x7  }
0x3d: {  	v4 =	vmin.u32 v4, $0x7;
	v6 =	vmin.u32 v6, $0x7;
	v8 =	vnsel vm7, $0x0, v15  }
0x3e: {  	v10 =	vnsel vm8, $0x0, v10;
	v7 =	vnsel vm9, $0x0, v17;
	v24 =	vnsel vm10, $0x0, v19  }
0x3f: {  	v26 =	vnsel vm11, $0x0, v11;
	v32 =	vnsel vm15, $0x0, v25;
	v0 =	vshll.u32 v0, $0x6  }
0x40: {  	v1 =	vshll.u32 v1, $0x3;
	v3 =	vshll.u32 v3, $0x3;
	v5 =	vshll.u32 v5, $0x3  }
0x41: {  	v12 =	vld [tilespmem:$0x460];
	v8 =	vmin.u32 v8, $0x7;
	v10 =	vmin.u32 v10, $0x7;
	v20 =	vmin.u32 v7, $0x7  }
0x42: {  	v22 =	vld [tilespmem:$0x270];
	v28 =	vmin.u32 v26, $0x7;
	v0 =	vor.u32 v0, v1;
	v1 =	vmin.u32 v56, $0x7  }
0x43: {  	v8 =	vshll.u32 v8, $0x6;
	v10 =	vshll.u32 v10, $0x3;
	v1 =	vshll.u32 v1, $0x6  }
0x44: {  	v0 =	vor.u32 v2, v0;
	v2 =	vmin.u32 v61, $0x7;
	v21 =	vor.u32 v8, v10  }
0x45: {  	v1 =	vor.u32 v1, v3;
	v2 =	vshll.u32 v2, $0x6;
	v3 =	vnsel vm14, $0x0, v60  }
0x46: {  	v23 =	vor.u32 v20, v21;
	vm12 =	vgt.s32 v12, $0x0;
	[tilespmem:$0x600] =	vst v0;
	v0 =	vshll.u32 v28, $0x3  }
0x47: {  	vm14 =	vgt.s32 v22, $0x0;
	v1 =	vor.u32 v59, v1;
	v2 =	vor.u32 v2, v5  }
0x48: {  	v3 =	vmin.u32 v3, $0x7;
	v5 =	vnsel vm6, $0x0, v13;
	v13 =	vld [tilespmem:$0x70];
	v27 =	vnsel vm12, $0x0, v12  }
0x49: {  	v31 =	vnsel vm14, $0x0, v22;
	v2 =	vor.u32 v4, v2;
	v4 =	vmin.u32 v14, $0x7  }
0x4a: {  	v3 =	vshll.u32 v3, $0x3;
	v5 =	vmin.u32 v5, $0x7;
	v4 =	vshll.u32 v4, $0x6  }
0x4b: {  	v29 =	vmin.u32 v27, $0x7;
	[tilespmem:$0x620] =	vst v2;
	v2 =	vmin.u32 v31, $0x7;
	v3 =	vor.u32 v4, v3  }
0x4c: {  	v4 =	vmin.u32 v16, $0x7;
	v3 =	vor.u32 v6, v3;
	v6 =	vmin.u32 v18, $0x7  }
0x4d: {  	v4 =	vshll.u32 v4, $0x6;
	v6 =	vshll.u32 v6, $0x3;
	vm13 =	vgt.s32 v13, $0x0  }
0x4e: {  	[tilespmem:$0x650] =	vst v23;
	v4 =	vor.u32 v4, v6;
	v6 =	vmin.u32 v24, $0x7;
	v30 =	vnsel vm13, $0x0, v13  }
0x4f: {  	[tilespmem:$0x610] =	vst v1;
	v2 =	vshll.u32 v2, $0x3;
	v6 =	vshll.u32 v6, $0x6;
	v1 =	vmin.u32 v30, $0x7  }
0x50: {  	[tilespmem:$0x630] =	vst v3;
	v4 =	vor.u32 v5, v4;
	v0 =	vor.u32 v6, v0;
	v1 =	vshll.u32 v1, $0x6  }
0x51: {  	v3 =	vmin.u32 v32, $0x7;
	[tilespmem:$0x640] =	vst v4;
	v0 =	vor.u32 v29, v0;
	v1 =	vor.u32 v1, v2  }
0x52: {  	[tilespmem:$0x660] =	vst v0;
	v33 =	vor.u32 v3, v1  }
0x53: {  	[tilespmem:$0x670] =	vst v33  }
0x54: {  	[tilespmem:s17], [sflag:$0x2] =	stream.indirect.gather [hbm4b:s1+s15], $0x80, s16, s15, $0xb8;
	[tilespmem:$0x10800] =	vst v63  }
0x55: {  	v34 =	vld [tilespmem:$0x80]  }
0x56: {  	v35 =	vld [tilespmem:$0x280]  }
0x57: {  	v36 =	vld [tilespmem:$0x480]  }
0x58: {  	v37 =	vld [tilespmem:$0x90]  }
0x59: {  	v38 =	vld [tilespmem:$0x290]  }
0x5a: {  	v39 =	vld [tilespmem:$0x490]  }
0x5b: {  	v40 =	vld [tilespmem:$0xA0]  }
0x5c: {  	v41 =	vld [tilespmem:$0x2A0]  }
0x5d: {  	v44 =	vld [tilespmem:$0x4A0]  }
0x5e: {  	v45 =	vld [tilespmem:$0xB0]  }
0x5f: {  	v47 =	vld [tilespmem:$0x2B0]  }
0x60: {  	v50 =	vld [tilespmem:$0x4B0]  }
0x61: {  	v51 =	vld [tilespmem:$0xC0]  }
0x62: {  	v52 =	vld [tilespmem:$0x2C0]  }
0x63: {  	v53 =	vld [tilespmem:$0x4C0]  }
0x64: {  	v55 =	vld [tilespmem:$0xD0]  }
0x65: {  	v56 =	vld [tilespmem:$0x2D0];
	vm4 =	vgt.s32 v34, $0x0  }
0x66: {  	v58 =	vld [tilespmem:$0x4D0];
	vm5 =	vgt.s32 v35, $0x0;
	vm6 =	vgt.s32 v36, $0x0;
	vm7 =	vgt.s32 v37, $0x0  }
0x67: {  	v60 =	vld [tilespmem:$0xE0];
	vm8 =	vgt.s32 v38, $0x0;
	vm9 =	vgt.s32 v39, $0x0;
	vm10 =	vgt.s32 v40, $0x0  }
0x68: {  	v61 =	vld [tilespmem:$0x2E0];
	vm11 =	vgt.s32 v41, $0x0;
	vm12 =	vgt.s32 v44, $0x0;
	vm13 =	vgt.s32 v45, $0x0  }
0x69: {  	v62 =	vld [tilespmem:$0x4E0];
	vm14 =	vgt.s32 v47, $0x0;
	vm15 =	vgt.s32 v50, $0x0;
	v0 =	vnsel vm4, $0x0, v34  }
0x6a: {  	v63 =	vld [tilespmem:$0xF0];
	v1 =	vnsel vm5, $0x0, v35;
	v2 =	vnsel vm6, $0x0, v36;
	v42 =	vnsel vm7, $0x0, v37  }
0x6b: {  	v19 =	vld [tilespmem:$0x4F0];
	v43 =	vnsel vm8, $0x0, v38;
	v5 =	vnsel vm9, $0x0, v39;
	v48 =	vnsel vm10, $0x0, v40  }
0x6c: {  	v49 =	vnsel vm11, $0x0, v41;
	v4 =	vnsel vm12, $0x0, v44;
	v54 =	vnsel vm13, $0x0, v45  }
0x6d: {  	v6 =	vnsel vm15, $0x0, v50;
	vm4 =	vgt.s32 v51, $0x0;
	vm5 =	vgt.s32 v52, $0x0  }
0x6e: {  	vm6 =	vgt.s32 v53, $0x0;
	vm7 =	vgt.s32 v55, $0x0;
	vm8 =	vgt.s32 v56, $0x0  }
0x6f: {  	vm9 =	vgt.s32 v58, $0x0;
	vm10 =	vgt.s32 v60, $0x0;
	vm11 =	vgt.s32 v61, $0x0  }
0x70: {  	vm12 =	vgt.s32 v62, $0x0;
	vm13 =	vgt.s32 v63, $0x0;
	vm15 =	vgt.s32 v19, $0x0  }
0x71: {  	v0 =	vmin.u32 v0, $0x7;
	v1 =	vmin.u32 v1, $0x7;
	v2 =	vmin.u32 v2, $0x7  }
0x72: {  	v3 =	vmin.u32 v43, $0x7;
	v46 =	vmin.u32 v5, $0x7;
	v5 =	vmin.u32 v49, $0x7  }
0x73: {  	v4 =	vmin.u32 v4, $0x7;
	v6 =	vmin.u32 v6, $0x7;
	v57 =	vnsel vm4, $0x0, v51  }
0x74: {  	v59 =	vnsel vm5, $0x0, v52;
	v8 =	vnsel vm7, $0x0, v55;
	v10 =	vnsel vm8, $0x0, v56  }
0x75: {  	v7 =	vnsel vm9, $0x0, v58;
	v18 =	vnsel vm10, $0x0, v60;
	v20 =	vnsel vm11, $0x0, v61  }
0x76: {  	v21 =	vnsel vm12, $0x0, v62;
	v24 =	vnsel vm13, $0x0, v63;
	v26 =	vnsel vm15, $0x0, v19  }
0x77: {  	v0 =	vshll.u32 v0, $0x6;
	v1 =	vshll.u32 v1, $0x3;
	v3 =	vshll.u32 v3, $0x3  }
0x78: {  	v5 =	vshll.u32 v5, $0x3;
	v8 =	vmin.u32 v8, $0x7;
	v10 =	vmin.u32 v10, $0x7  }
0x79: {  	v16 =	vld [tilespmem:$0x2F0];
	v14 =	vmin.u32 v7, $0x7;
	v22 =	vmin.u32 v20, $0x7;
	v0 =	vor.u32 v0, v1  }
0x7a: {  	v1 =	vmin.u32 v42, $0x7;
	v8 =	vshll.u32 v8, $0x6;
	v10 =	vshll.u32 v10, $0x3  }
0x7b: {  	v1 =	vshll.u32 v1, $0x6;
	v0 =	vor.u32 v2, v0;
	v2 =	vmin.u32 v48, $0x7  }
0x7c: {  	v15 =	vor.u32 v8, v10;
	v1 =	vor.u32 v1, v3;
	v2 =	vshll.u32 v2, $0x6  }
0x7d: {  	v3 =	vnsel vm14, $0x0, v47;
	v17 =	vor.u32 v14, v15;
	[tilespmem:$0x680] =	vst v0;
	v0 =	vshll.u32 v22, $0x3  }
0x7e: {  	vm14 =	vgt.s32 v16, $0x0;
	v1 =	vor.u32 v46, v1;
	v2 =	vor.u32 v2, v5  }
0x7f: {  	v3 =	vmin.u32 v3, $0x7;
	v5 =	vnsel vm6, $0x0, v53;
	v25 =	vnsel vm14, $0x0, v16  }
0x80: {  	v2 =	vor.u32 v4, v2;
	v4 =	vmin.u32 v54, $0x7;
	v3 =	vshll.u32 v3, $0x3;
	[tilespmem:$0x690] =	vst v1  }
0x81: {  	v1 =	vmin.u32 v24, $0x7;
	v4 =	vshll.u32 v4, $0x6;
	[tilespmem:$0x6A0] =	vst v2;
	v2 =	vmin.u32 v25, $0x7  }
0x82: {  	v1 =	vshll.u32 v1, $0x6;
	v3 =	vor.u32 v4, v3;
	v4 =	vmin.u32 v57, $0x7  }
0x83: {  	v2 =	vshll.u32 v2, $0x3;
	v3 =	vor.u32 v6, v3;
	v6 =	vmin.u32 v59, $0x7  }
0x84: {  	v4 =	vshll.u32 v4, $0x6;
	v1 =	vor.u32 v1, v2;
	v6 =	vshll.u32 v6, $0x3  }
0x85: {  	[tilespmem:$0x6B0] =	vst v3;
	v3 =	vmin.u32 v26, $0x7;
	v4 =	vor.u32 v4, v6;
	v6 =	vmin.u32 v18, $0x7  }
0x86: {  	[tilespmem:$0x6D0] =	vst v17;
	v5 =	vmin.u32 v5, $0x7;
	v27 =	vor.u32 v3, v1;
	v6 =	vshll.u32 v6, $0x6  }
0x87: {  	v23 =	vmin.u32 v21, $0x7;
	v4 =	vor.u32 v5, v4;
	[tilespmem:$0x6F0] =	vst v27;
	v0 =	vor.u32 v6, v0  }
0x88: {  	[tilespmem:$0x6C0] =	vst v4;
	v0 =	vor.u32 v23, v0  }
0x89: {  	[tilespmem:$0x6E0] =	vst v0  }
0x8a: {  	[tilespmem:s19], [sflag:$0x2] =	stream.indirect.gather [hbm4b:s1+s15], $0x80, s18, s15, $0xb8;
	[tilespmem:$0x10800] =	vst v63  }
0x8b: {  	v28 =	vld [tilespmem:$0x100]  }
0x8c: {  	v29 =	vld [tilespmem:$0x300]  }
0x8d: {  	v30 =	vld [tilespmem:$0x500]  }
0x8e: {  	v31 =	vld [tilespmem:$0x110]  }
0x8f: {  	v32 =	vld [tilespmem:$0x310]  }
0x90: {  	v33 =	vld [tilespmem:$0x510]  }
0x91: {  	v34 =	vld [tilespmem:$0x120]  }
0x92: {  	v35 =	vld [tilespmem:$0x320]  }
0x93: {  	v38 =	vld [tilespmem:$0x520]  }
0x94: {  	v39 =	vld [tilespmem:$0x130]  }
0x95: {  	v41 =	vld [tilespmem:$0x330]  }
0x96: {  	v44 =	vld [tilespmem:$0x530]  }
0x97: {  	v45 =	vld [tilespmem:$0x140]  }
0x98: {  	v46 =	vld [tilespmem:$0x340]  }
0x99: {  	v47 =	vld [tilespmem:$0x540]  }
0x9a: {  	v49 =	vld [tilespmem:$0x150]  }
0x9b: {  	v50 =	vld [tilespmem:$0x350];
	vm4 =	vgt.s32 v28, $0x0  }
0x9c: {  	v52 =	vld [tilespmem:$0x550];
	vm5 =	vgt.s32 v29, $0x0;
	vm6 =	vgt.s32 v30, $0x0;
	vm7 =	vgt.s32 v31, $0x0  }
0x9d: {  	v54 =	vld [tilespmem:$0x160];
	vm8 =	vgt.s32 v32, $0x0;
	vm9 =	vgt.s32 v33, $0x0;
	vm10 =	vgt.s32 v34, $0x0  }
0x9e: {  	v55 =	vld [tilespmem:$0x360];
	vm11 =	vgt.s32 v35, $0x0;
	vm12 =	vgt.s32 v38, $0x0;
	vm13 =	vgt.s32 v39, $0x0  }
0x9f: {  	v56 =	vld [tilespmem:$0x560];
	vm14 =	vgt.s32 v41, $0x0;
	vm15 =	vgt.s32 v44, $0x0;
	v0 =	vnsel vm4, $0x0, v28  }
0xa0: {  	v57 =	vld [tilespmem:$0x170];
	v1 =	vnsel vm5, $0x0, v29;
	v2 =	vnsel vm6, $0x0, v30;
	v36 =	vnsel vm7, $0x0, v31  }
0xa1: {  	v63 =	vld [tilespmem:$0x570];
	v37 =	vnsel vm8, $0x0, v32;
	v5 =	vnsel vm9, $0x0, v33;
	v42 =	vnsel vm10, $0x0, v34  }
0xa2: {  	v43 =	vnsel vm11, $0x0, v35;
	v4 =	vnsel vm12, $0x0, v38;
	v48 =	vnsel vm13, $0x0, v39  }
0xa3: {  	v6 =	vnsel vm15, $0x0, v44;
	vm4 =	vgt.s32 v45, $0x0;
	vm5 =	vgt.s32 v46, $0x0  }
0xa4: {  	vm6 =	vgt.s32 v47, $0x0;
	vm7 =	vgt.s32 v49, $0x0;
	vm8 =	vgt.s32 v50, $0x0  }
0xa5: {  	vm9 =	vgt.s32 v52, $0x0;
	vm10 =	vgt.s32 v54, $0x0;
	vm11 =	vgt.s32 v55, $0x0  }
0xa6: {  	vm12 =	vgt.s32 v56, $0x0;
	vm13 =	vgt.s32 v57, $0x0;
	vm15 =	vgt.s32 v63, $0x0  }
0xa7: {  	v0 =	vmin.u32 v0, $0x7;
	v1 =	vmin.u32 v1, $0x7;
	v2 =	vmin.u32 v2, $0x7  }
0xa8: {  	v3 =	vmin.u32 v37, $0x7;
	v40 =	vmin.u32 v5, $0x7;
	v5 =	vmin.u32 v43, $0x7  }
0xa9: {  	v4 =	vmin.u32 v4, $0x7;
	v6 =	vmin.u32 v6, $0x7;
	v51 =	vnsel vm4, $0x0, v45  }
0xaa: {  	v53 =	vnsel vm5, $0x0, v46;
	v8 =	vnsel vm7, $0x0, v49;
	v10 =	vnsel vm8, $0x0, v50  }
0xab: {  	v7 =	vnsel vm9, $0x0, v52;
	v62 =	vnsel vm10, $0x0, v54;
	v14 =	vnsel vm11, $0x0, v55  }
0xac: {  	v15 =	vnsel vm12, $0x0, v56;
	v18 =	vnsel vm13, $0x0, v57;
	v20 =	vnsel vm15, $0x0, v63  }
0xad: {  	v0 =	vshll.u32 v0, $0x6;
	v1 =	vshll.u32 v1, $0x3;
	v3 =	vshll.u32 v3, $0x3  }
0xae: {  	v5 =	vshll.u32 v5, $0x3;
	v8 =	vmin.u32 v8, $0x7;
	v10 =	vmin.u32 v10, $0x7  }
0xaf: {  	v60 =	vld [tilespmem:$0x370];
	v58 =	vmin.u32 v7, $0x7;
	v16 =	vmin.u32 v14, $0x7;
	v0 =	vor.u32 v0, v1  }
0xb0: {  	v1 =	vmin.u32 v36, $0x7;
	v8 =	vshll.u32 v8, $0x6;
	v10 =	vshll.u32 v10, $0x3  }
0xb1: {  	v1 =	vshll.u32 v1, $0x6;
	v0 =	vor.u32 v2, v0;
	v2 =	vmin.u32 v42, $0x7  }
0xb2: {  	v59 =	vor.u32 v8, v10;
	v1 =	vor.u32 v1, v3;
	v2 =	vshll.u32 v2, $0x6  }
0xb3: {  	v3 =	vnsel vm14, $0x0, v41;
	v61 =	vor.u32 v58, v59;
	[tilespmem:$0x700] =	vst v0;
	v0 =	vshll.u32 v16, $0x3  }
0xb4: {  	vm14 =	vgt.s32 v60, $0x0;
	v1 =	vor.u32 v40, v1;
	v2 =	vor.u32 v2, v5  }
0xb5: {  	v3 =	vmin.u32 v3, $0x7;
	v5 =	vnsel vm6, $0x0, v47;
	v19 =	vnsel vm14, $0x0, v60  }
0xb6: {  	v2 =	vor.u32 v4, v2;
	v4 =	vmin.u32 v48, $0x7;
	v3 =	vshll.u32 v3, $0x3;
	[tilespmem:$0x710] =	vst v1  }
0xb7: {  	v1 =	vmin.u32 v18, $0x7;
	v4 =	vshll.u32 v4, $0x6;
	[tilespmem:$0x720] =	vst v2;
	v2 =	vmin.u32 v19, $0x7  }
0xb8: {  	v1 =	vshll.u32 v1, $0x6;
	v3 =	vor.u32 v4, v3;
	v4 =	vmin.u32 v51, $0x7  }
0xb9: {  	v2 =	vshll.u32 v2, $0x3;
	v3 =	vor.u32 v6, v3;
	v6 =	vmin.u32 v53, $0x7  }
0xba: {  	v4 =	vshll.u32 v4, $0x6;
	v1 =	vor.u32 v1, v2;
	v6 =	vshll.u32 v6, $0x3  }
0xbb: {  	[tilespmem:$0x730] =	vst v3;
	v3 =	vmin.u32 v20, $0x7;
	v4 =	vor.u32 v4, v6;
	v6 =	vmin.u32 v62, $0x7  }
0xbc: {  	[tilespmem:$0x750] =	vst v61;
	v5 =	vmin.u32 v5, $0x7;
	v21 =	vor.u32 v3, v1;
	v6 =	vshll.u32 v6, $0x6  }
0xbd: {  	v17 =	vmin.u32 v15, $0x7;
	v4 =	vor.u32 v5, v4;
	[tilespmem:$0x770] =	vst v21;
	v0 =	vor.u32 v6, v0  }
0xbe: {  	[tilespmem:$0x740] =	vst v4;
	v0 =	vor.u32 v17, v0  }
0xbf: {  	[tilespmem:$0x760] =	vst v0  }
0xc0: {  	[tilespmem:s21], [sflag:$0x2] =	stream.indirect.gather [hbm4b:s1+s15], $0x80, s20, s15, $0xb8;
	[tilespmem:$0x10800] =	vst v63  }
0xc1: {  	v22 =	vld [tilespmem:$0x180]  }
0xc2: {  	v23 =	vld [tilespmem:$0x380]  }
0xc3: {  	v24 =	vld [tilespmem:$0x580]  }
0xc4: {  	v25 =	vld [tilespmem:$0x190]  }
0xc5: {  	v26 =	vld [tilespmem:$0x390]  }
0xc6: {  	v27 =	vld [tilespmem:$0x590]  }
0xc7: {  	v28 =	vld [tilespmem:$0x1A0]  }
0xc8: {  	v29 =	vld [tilespmem:$0x3A0]  }
0xc9: {  	v30 =	vld [tilespmem:$0x5A0]  }
0xca: {  	v34 =	vld [tilespmem:$0x1B0]  }
0xcb: {  	v35 =	vld [tilespmem:$0x3B0]  }
0xcc: {  	v36 =	vld [tilespmem:$0x5B0]  }
0xcd: {  	v37 =	vld [tilespmem:$0x1C0]  }
0xce: {  	v38 =	vld [tilespmem:$0x3C0]  }
0xcf: {  	v40 =	vld [tilespmem:$0x5C0]  }
0xd0: {  	v41 =	vld [tilespmem:$0x1D0];
	vm4 =	vgt.s32 v22, $0x0  }
0xd1: {  	v42 =	vld [tilespmem:$0x3D0];
	vm5 =	vgt.s32 v23, $0x0;
	vm6 =	vgt.s32 v24, $0x0;
	vm7 =	vgt.s32 v25, $0x0  }
0xd2: {  	v43 =	vld [tilespmem:$0x5D0];
	vm8 =	vgt.s32 v26, $0x0;
	vm9 =	vgt.s32 v27, $0x0;
	vm10 =	vgt.s32 v28, $0x0  }
0xd3: {  	v45 =	vld [tilespmem:$0x1E0];
	vm11 =	vgt.s32 v29, $0x0;
	vm12 =	vgt.s32 v30, $0x0;
	vm13 =	vgt.s32 v34, $0x0  }
0xd4: {  	v46 =	vld [tilespmem:$0x3E0];
	vm14 =	vgt.s32 v35, $0x0;
	vm15 =	vgt.s32 v36, $0x0;
	v0 =	vnsel vm4, $0x0, v22  }
0xd5: {  	v48 =	vld [tilespmem:$0x1F0];
	v1 =	vnsel vm5, $0x0, v23;
	v2 =	vnsel vm6, $0x0, v24;
	v31 =	vnsel vm7, $0x0, v25  }
0xd6: {  	v49 =	vld [tilespmem:$0x3F0];
	v32 =	vnsel vm8, $0x0, v26;
	v33 =	vnsel vm9, $0x0, v27;
	v6 =	vnsel vm10, $0x0, v28  }
0xd7: {  	v7 =	vnsel vm11, $0x0, v29;
	v5 =	vnsel vm13, $0x0, v34;
	v39 =	vnsel vm14, $0x0, v35  }
0xd8: {  	vm4 =	vgt.s32 v37, $0x0;
	vm5 =	vgt.s32 v38, $0x0;
	vm6 =	vgt.s32 v40, $0x0  }
0xd9: {  	vm7 =	vgt.s32 v41, $0x0;
	vm8 =	vgt.s32 v42, $0x0;
	vm9 =	vgt.s32 v43, $0x0  }
0xda: {  	vm10 =	vgt.s32 v45, $0x0;
	vm11 =	vgt.s32 v46, $0x0;
	vm13 =	vgt.s32 v48, $0x0  }
0xdb: {  	vm14 =	vgt.s32 v49, $0x0;
	v0 =	vmin.u32 v0, $0x7;
	v1 =	vmin.u32 v1, $0x7  }
0xdc: {  	v2 =	vmin.u32 v2, $0x7;
	v3 =	vmin.u32 v32, $0x7;
	v4 =	vmin.u32 v33, $0x7  }
0xdd: {  	v6 =	vmin.u32 v6, $0x7;
	v7 =	vmin.u32 v7, $0x7;
	v5 =	vmin.u32 v5, $0x7  }
0xde: {  	v44 =	vnsel vm4, $0x0, v37;
	v8 =	vnsel vm7, $0x0, v41;
	v10 =	vnsel vm8, $0x0, v42  }
0xdf: {  	v9 =	vnsel vm10, $0x0, v45;
	v51 =	vnsel vm11, $0x0, v46;
	v56 =	vnsel vm13, $0x0, v48  }
0xe0: {  	v47 =	vld [tilespmem:$0x5E0];
	v58 =	vnsel vm14, $0x0, v49;
	v0 =	vshll.u32 v0, $0x6;
	v1 =	vshll.u32 v1, $0x3  }
0xe1: {  	v3 =	vshll.u32 v3, $0x3;
	v6 =	vshll.u32 v6, $0x6;
	v7 =	vshll.u32 v7, $0x3  }
0xe2: {  	v5 =	vshll.u32 v5, $0x6;
	v8 =	vmin.u32 v8, $0x7;
	v10 =	vmin.u32 v10, $0x7  }
0xe3: {  	v52 =	vmin.u32 v9, $0x7;
	v0 =	vor.u32 v0, v1;
	v1 =	vnsel vm12, $0x0, v30  }
0xe4: {  	v6 =	vor.u32 v6, v7;
	v7 =	vnsel vm5, $0x0, v38;
	v8 =	vshll.u32 v8, $0x6  }
0xe5: {  	v10 =	vshll.u32 v10, $0x3;
	vm12 =	vgt.s32 v47, $0x0;
	v54 =	vshll.u32 v52, $0x6  }
0xe6: {  	v0 =	vor.u32 v2, v0;
	v2 =	vmin.u32 v31, $0x7;
	v1 =	vmin.u32 v1, $0x7  }
0xe7: {  	v50 =	vld [tilespmem:$0x5F0];
	v7 =	vmin.u32 v7, $0x7;
	v8 =	vor.u32 v8, v10;
	v2 =	vshll.u32 v2, $0x6  }
0xe8: {  	v53 =	vnsel vm12, $0x0, v47;
	v1 =	vor.u32 v1, v6;
	v2 =	vor.u32 v2, v3  }
0xe9: {  	v6 =	vnsel vm6, $0x0, v40;
	v2 =	vor.u32 v4, v2;
	v4 =	vmin.u32 v39, $0x7  }
0xea: {  	v7 =	vshll.u32 v7, $0x3;
	v3 =	vnsel vm15, $0x0, v36;
	v4 =	vshll.u32 v4, $0x3  }
0xeb: {  	[tilespmem:$0x780] =	vst v0;
	v0 =	vmin.u32 v53, $0x7;
	v3 =	vmin.u32 v3, $0x7;
	v4 =	vor.u32 v5, v4  }
0xec: {  	vm15 =	vgt.s32 v50, $0x0;
	v3 =	vor.u32 v3, v4;
	v4 =	vmin.u32 v44, $0x7  }
0xed: {  	v6 =	vmin.u32 v6, $0x7;
	v59 =	vnsel vm15, $0x0, v50;
	v4 =	vshll.u32 v4, $0x6  }
0xee: {  	[tilespmem:$0x790] =	vst v2;
	v2 =	vmin.u32 v58, $0x7;
	v5 =	vnsel vm9, $0x0, v43;
	v4 =	vor.u32 v4, v7  }
0xef: {  	[tilespmem:$0x7A0] =	vst v1;
	v5 =	vmin.u32 v5, $0x7;
	v4 =	vor.u32 v6, v4;
	v6 =	vmin.u32 v51, $0x7  }
0xf0: {  	v5 =	vor.u32 v5, v8;
	[tilespmem:$0x7B0] =	vst v3;
	v55 =	vshll.u32 v6, $0x3;
	v6 =	vmin.u32 v56, $0x7  }
0xf1: {  	v2 =	vshll.u32 v2, $0x3;
	[tilespmem:$0x7D0] =	vst v5;
	v57 =	vor.u32 v54, v55;
	v60 =	vshll.u32 v6, $0x6  }
0xf2: {  	v62 =	vmin.u32 v59, $0x7;
	[tilespmem:$0x7C0] =	vst v4;
	v0 =	vor.u32 v0, v57;
	v61 =	vor.u32 v60, v2  }
0xf3: {  	[tilespmem:$0x7E0] =	vst v0;
	v63 =	vor.u32 v62, v61  }
0xf4: {  	[tilespmem:$0x7F0] =	vst v63  }
0xf5: {  	[tilespmem:s23], [sflag:$0x2] =	stream.indirect.gather [hbm4b:s1+s15], $0x80, s22, s15, $0xb8;
	[tilespmem:$0x10800] =	vst v63  }
0xf6: {  	_ =	swait.ge [sflag:s24], $0x4000  }
0xf7: {  	[sflag:s24] =	ssyncset.done $0x0  }
0xf8: {  	[sflag:s24] =	ssyncadd.s32 $0xFFFFC000  }
0xf9: {  	[hbm4b:s7+s3] =	stream.linear.scatter [tilespmem:s17], [sflag:$0x3], $0x4000, $0x38;
	[tilespmem:$0x10800] =	vst v63  }
0xfa: {  	_ =	swait.ge [sflag:s24], $0x4000  }
0xfb: {  	[sflag:s24] =	ssyncset.done $0x0  }
0xfc: {  	[sflag:s24] =	ssyncadd.s32 $0xFFFFC000  }
0xfd: {  	[hbm4b:s8+s3] =	stream.linear.scatter [tilespmem:s19], [sflag:$0x3], $0x4000, $0x38;
	[tilespmem:$0x10800] =	vst v63  }
0xfe: {  	_ =	swait.ge [sflag:s24], $0x4000  }
0xff: {  	[sflag:s24] =	ssyncset.done $0x0  }
0x100: {  	[sflag:s24] =	ssyncadd.s32 $0xFFFFC000  }
0x101: {  	[hbm4b:s9+s3] =	stream.linear.scatter [tilespmem:s21], [sflag:$0x3], $0x4000, $0x38;
	[tilespmem:$0x10800] =	vst v63  }
0x102: {  	_ =	swait.ge [sflag:s24], $0x4000  }
0x103: {  	[sflag:s24] =	ssyncset.done $0x0  }
0x104: {  	[sflag:s24] =	ssyncadd.s32 $0xFFFFC000  }
0x105: {  	[hbm4b:s10+s3] =	stream.linear.scatter [tilespmem:s23], [sflag:$0x3], $0x4000, $0x38;
	[tilespmem:$0x10800] =	vst v63  }
0x106: {  	_ =	swait.ge [sflag:s25], $0x4000  }
0x107: {  	[sflag:s25] =	ssyncset.done $0x0  }
0x108: {  	[sflag:s25] =	ssyncadd.s32 $0xFFFFC000  }
0x109: {  	_ =	swait.ge [sflag:s25], $0x4000  }
0x10a: {  	[sflag:s25] =	ssyncset.done $0x0  }
0x10b: {  	[sflag:s25] =	ssyncadd.s32 $0xFFFFC000  }
0x10c: {  	p0 =	sne.s32 s11, $0x1;
	_ =	swait.ge [sflag:s25], $0x4000  }
.Ltmp0:
0x10d: {  	[sflag:s25] =	ssyncset.done $0x0;
	(pc) =	sbr.rel @p0 .LBB2_1-.Ltmp0, $4  }
0x10e: {  	[sflag:s25] =	ssyncadd.s32 $0xFFFFC000  }
0x10f: {  	_ =	swait.ge [sflag:s25], $0x4000  }
0x110: {  	[sflag:s25] =	ssyncset.done $0x0  }
0x111: {  	s11 =	sadd.s32 $0xFFFFFFFF, s11;
	[sflag:s25] =	ssyncadd.s32 $0xFFFFC000  }
0x112: {  	_ =	sfence.sel $0x180000  }
0x113: {  	[bflag:$0x0] =	sbarrier.arrive $0xFFFF  }
0x114: {  	p0 =	sne.s32 s2, $0x0;
	_ =	strace $0x90000047  }
0x115: {  	s0 =	sadd.s32 @!p0 $0x100000, s0;
	[bflag:$0x2] =	sbarrier.arrive $0xFFFF  }
0x116: {  	[sflag:s0] =	ssyncadd.tile.s32 @!p0 $0x1;
	_ =	shalt  }
.Lfunc_end2:
_tile_overlayer_lowered:
.L_overlay_start_2:
0x117: {  	(tag) =	ssettag $0x2  }
0x118: {  	s0 =	rddreg [dreg:$0x0];
	s2 =	stileid.u32  }
0x119: {  	s1 =	rddreg [dreg:$0x1];
	p0 =	sne.s32 s2, $0x0  }
0x11a: {  	s3 =	rddreg [dreg:$0x2];
	[bflag:$0x3] =	sbarrier.arrive $0xFFFF;
	s2 =	simm.s32 @!p0 $0x1C04  }
0x11b: {  	[timem:s3], [sflag:s2] =	dma.local @!p0 [hbm:s0], s1  }
0x11c: {  	s0 =	simm.s32 @!p0 $0x4  }
0x11d: {  	_ =	swait.ge @!p0 [sflag:s0], s1  }
0x11e: {  	s1 =	ssub.s32 @!p0 $0x0, s1;
	[sflag:s0] =	ssyncset.done @!p0 $0x0  }
0x11f: {  	[sflag:s0] =	ssyncadd.s32 @!p0 s1  }
0x120: {  	[bflag:$0x3] =	sbarrier.arrive $0xFFFF  }
0x121: {  	_ =	shalt  }

</sc_bundles>
